<compile_context>
chip_gen: v7x
topology: tpu7x:2x2x1
jax: 0.10.2.dev20260603
libtpu: 0.0.44.dev20260713+nightly
codegen_flags: <defaults>
</compile_context>

<pallas_src>
import functools

import jax
import jax.numpy as jnp
from jax import lax
from jax.experimental import pallas as pl
from jax.experimental.pallas import tpu as pltpu
from jax.experimental.pallas import tpu_sc as plsc

N = 10000
E = 320000
C = 128

NP = 10240
NT = 16
NC = 2
EW = E // NT
NV = EW // 16
NV2 = NV // NC
NS = NP // NT

BLK = 1024
NR = NP // 128


def _sd_body(x_ref, w_ref, a2_ref, sd_ref):
    wa = lax.dot_general(a2_ref[...], w_ref[...], (((0,), (0,)), ((), ())),
                         preferred_element_type=jnp.float32)
    sd = lax.dot_general(wa, x_ref[...], (((1,), (1,)), ((), ())),
                         preferred_element_type=jnp.float32)
    sd_ref[...] = sd.reshape(2, BLK // 128, 128)


def _project_sd(x, w, a2):
    return pl.pallas_call(
        _sd_body,
        grid=(NP // BLK,),
        in_specs=[
            pl.BlockSpec((BLK, C), lambda i: (i, 0)),
            pl.BlockSpec((C, C), lambda i: (0, 0)),
            pl.BlockSpec((C, 2), lambda i: (0, 0)),
        ],
        out_specs=pl.BlockSpec((2, BLK // 128, 128), lambda i: (0, i, 0)),
        out_shape=jax.ShapeDtypeStruct((2, NR, 128), jnp.float32),
    )(x, w, a2)


def _xp_body(x_ref, w_ref, xp_ref):
    xp_ref[...] = lax.dot_general(x_ref[...], w_ref[...],
                                  (((1,), (1,)), ((), ())),
                                  preferred_element_type=jnp.float32)


def _matmul_xp(x, w):
    return pl.pallas_call(
        _xp_body,
        grid=(NP // BLK,),
        in_specs=[
            pl.BlockSpec((BLK, C), lambda i: (i, 0)),
            pl.BlockSpec((C, C), lambda i: (0, 0)),
        ],
        out_specs=pl.BlockSpec((BLK, C), lambda i: (i, 0)),
        out_shape=jax.ShapeDtypeStruct((N, C), jnp.float32),
    )(x, w)


def _edge_body(sd_hbm, ei_hbm, s_out_hbm,
               s_v, d_v, row_v, col_v, ea_v, acc_v, red_v, part_sh, red_sh,
               sem):
    cid = lax.axis_index("c")
    sid = lax.axis_index("s")
    ebase = sid * EW
    nbase = sid * NS

    cp = [
        pltpu.make_async_copy(sd_hbm.at[pl.ds(0, NP)], s_v, sem),
        pltpu.make_async_copy(sd_hbm.at[pl.ds(NP, NP)], d_v, sem),
        pltpu.make_async_copy(ei_hbm.at[pl.ds(ebase, EW)], row_v, sem),
        pltpu.make_async_copy(ei_hbm.at[pl.ds(E + ebase, EW)], col_v, sem),
    ]
    for c in cp:
        c.start()

    zeros16 = jnp.zeros((16,), jnp.float32)

    @plsc.parallel_loop(0, NP // 16, 1, unroll=8)
    def zero_body(i):
        acc_v[pl.ds(i * 16, 16)] = zeros16

    for c in cp:
        c.wait()

    @plsc.parallel_loop(0, NV, 1, unroll=8)
    def p1_body(i):
        b = i * 16
        r = row_v[pl.ds(b, 16)]
        c = col_v[pl.ds(b, 16)]
        a = plsc.load_gather(s_v, [r]) + plsc.load_gather(d_v, [c])
        a = jnp.where(a > 0, a, 0.2 * a)
        ea = jnp.exp(a)
        ea_v[pl.ds(b, 16)] = ea
        plsc.addupdate_scatter(acc_v, [r], ea - 1.0)

    pltpu.sync_copy(acc_v, part_sh.at[sid])
    plsc.subcore_barrier()
    pltpu.sync_copy(part_sh.at[:, pl.ds(nbase, NS)], red_v)

    fE = jnp.float32(E)

    one = jnp.float32(1.0)

    @plsc.parallel_loop(0, NS // 16, 1, unroll=4)
    def red_body(j):
        b = j * 16
        v = red_v[0, pl.ds(b, 16)]
        for t in range(1, NT):
            v = v + red_v[t, pl.ds(b, 16)]
        acc_v[pl.ds(b, 16)] = one / (v + fE)

    pltpu.sync_copy(acc_v.at[pl.ds(0, NS)], red_sh.at[pl.ds(nbase, NS)])
    plsc.subcore_barrier()

    pltpu.sync_copy(red_sh, acc_v)

    @plsc.parallel_loop(0, NP // 16, 1, unroll=8)
    def zero2_body(i):
        s_v[pl.ds(i * 16, 16)] = zeros16

    half = cid * NV2 * 16

    @plsc.parallel_loop(0, NV2, 1, unroll=8)
    def p2_body(i):
        b = half + i * 16
        r = row_v[pl.ds(b, 16)]
        c = col_v[pl.ds(b, 16)]
        an = ea_v[pl.ds(b, 16)] * plsc.load_gather(acc_v, [r])
        plsc.addupdate_scatter(s_v, [c], an)

    pltpu.sync_copy(s_v, part_sh.at[sid])
    plsc.subcore_barrier()
    pltpu.sync_copy(part_sh.at[:, pl.ds(nbase, NS)], red_v)

    @plsc.parallel_loop(0, NS // 16, 1, unroll=4)
    def red2_body(j):
        b = j * 16
        v = red_v[0, pl.ds(b, 16)]
        for t in range(1, NT):
            v = v + red_v[t, pl.ds(b, 16)]
        acc_v[pl.ds(b, 16)] = v

    pltpu.sync_copy(acc_v.at[pl.ds(0, NS)],
                    s_out_hbm.at[pl.ds(cid * NP + nbase, NS)])


def _edge_kernel(sd, ei):
    mesh = plsc.VectorSubcoreMesh(core_axis_name="c", subcore_axis_name="s",
                                  num_cores=NC)
    return pl.kernel(
        _edge_body,
        mesh=mesh,
        compiler_params=pltpu.CompilerParams(needs_layout_passes=False),
        out_type=jax.ShapeDtypeStruct((NC * NP,), jnp.float32),
        scratch_types=[
            pltpu.VMEM((NP,), jnp.float32),
            pltpu.VMEM((NP,), jnp.float32),
            pltpu.VMEM((EW,), jnp.int32),
            pltpu.VMEM((EW,), jnp.int32),
            pltpu.VMEM((EW,), jnp.float32),
            pltpu.VMEM((NP,), jnp.float32),
            pltpu.VMEM((NT, NS), jnp.float32),
            pltpu.VMEM_SHARED((NT, NP), jnp.float32),
            pltpu.VMEM_SHARED((NP,), jnp.float32),
            pltpu.SemaphoreType.DMA,
        ],
    )(sd, ei)


def _scale_body(xp_ref, s_ref, b_ref, out_ref):
    ir = lax.broadcasted_iota(jnp.int32, (128, 128), 0)
    ic = lax.broadcasted_iota(jnp.int32, (128, 128), 1)
    eye = (ir == ic)
    s_blk = s_ref[0] + s_ref[1]
    for g in range(BLK // 128):
        srow = s_blk[g:g + 1, :]
        dg = jnp.where(eye, jnp.broadcast_to(srow, (128, 128)), 0.0)
        xp_g = xp_ref[pl.ds(g * 128, 128), :]
        out_ref[pl.ds(g * 128, 128), :] = (
            lax.dot_general(dg, xp_g, (((1,), (0,)), ((), ())),
                            preferred_element_type=jnp.float32)
            + b_ref[...]
        )


def _scale(xp, s2, bias_row):
    return pl.pallas_call(
        _scale_body,
        grid=(NP // BLK,),
        in_specs=[
            pl.BlockSpec((BLK, C), lambda i: (i, 0)),
            pl.BlockSpec((NC, BLK // 128, 128), lambda i: (0, i, 0)),
            pl.BlockSpec((1, C), lambda i: (0, 0)),
        ],
        out_specs=pl.BlockSpec((BLK, C), lambda i: (i, 0)),
        out_shape=jax.ShapeDtypeStruct((N, C), jnp.float32),
    )(xp, s2, bias_row)


def kernel(x, W, att, bias, edge_index):
    a2 = jnp.stack([att[0, 0, :C], att[0, 0, C:]], axis=1)
    sd = _project_sd(x, W, a2)
    ei = edge_index.reshape(2 * E)
    s2 = _edge_kernel(sd.reshape(NC * NP), ei)
    xp = _matmul_xp(x, W)
    out = _scale(xp, s2.reshape(NC, NR, 128), bias[None, :])
    return out

# --- scband reference (transcript-rebuilt; emitter-appended) ---
"""Pipeline reference for scband-gatconv-26723286516148 (READ-ONLY COPY).

The authoritative reference and input builder live on the scoring server;
editing this copy changes nothing except your own understanding.
"""

import jax, jax.numpy as jnp
import numpy as np

N = 10000
E = 320000
IN_CH = 128
HEADS = 1
OUT_CH = 128


def setup_inputs(seed: int = 0) -> dict:
    key = jax.random.key(seed)
    k1, k2, k3, k4 = jax.random.split(key, 4)
    x = jax.random.normal(k1, (N, IN_CH), dtype=jnp.float32)
    edge_index = jax.random.randint(k2, (2, E), 0, N, dtype=jnp.int32)
    # lin.weight: xavier_uniform on [heads*out, in]
    lim_w = float(np.sqrt(6.0 / (IN_CH + HEADS * OUT_CH)))
    W = jax.random.uniform(k3, (HEADS * OUT_CH, IN_CH), minval=-lim_w, maxval=lim_w, dtype=jnp.float32)
    # att: xavier_uniform on [1, heads, 2*out]; torch fan_in=heads*2*out, fan_out=2*out
    lim_a = float(np.sqrt(6.0 / (HEADS * 2 * OUT_CH + 2 * OUT_CH)))
    att = jax.random.uniform(k4, (1, HEADS, 2 * OUT_CH), minval=-lim_a, maxval=lim_a, dtype=jnp.float32)
    bias = jnp.zeros((HEADS * OUT_CH,), dtype=jnp.float32)
    return {"x": x, "W": W, "att": att, "bias": bias, "edge_index": edge_index}


def reference(x, W, att, bias, edge_index):
    H, C = HEADS, OUT_CH
    xp = (x @ W.T).reshape(-1, H, C)              # lin + view
    row = edge_index[0]
    col = edge_index[1]
    x_i = jnp.take(xp, row, axis=0)               # gather src
    x_j = jnp.take(xp, col, axis=0)               # gather dst
    att_input = jnp.concatenate([x_i, x_j], axis=-1)   # [E, H, 2C]
    alpha = jnp.sum(att_input * att, axis=-1)     # [E, H]
    alpha = jnp.where(alpha > 0, alpha, 0.2 * alpha)   # leaky_relu(0.2)
    n = xp.shape[0]
    e = row.shape[0]
    # Faithful replication of the dense zero-padded softmax over dim=1 of
    # alpha_sparse[N, E, H]: for node n, denom = sum_{e: row[e]=n} exp(alpha_e)
    # + (E - deg(n)) * exp(0), since all non-edge slots contribute exp(0)=1.
    exp_a = jnp.exp(alpha)                        # [E, H]
    seg = jax.ops.segment_sum(exp_a, row, num_segments=n)     # [N, H]
    cnt = jnp.bincount(row, length=n).astype(exp_a.dtype)     # [N]
    denom = seg + (jnp.float32(e) - cnt)[:, None]             # [N, H]
    alpha_norm = exp_a / jnp.take(denom, row, axis=0)         # [E, H]
    # dropout p=0.0 -> identity
    msgs = alpha_norm[:, :, None] * x_j           # [E, H, C]
    out = jax.ops.segment_sum(msgs, col, num_segments=n)      # scatter-add by dst
    out = out.reshape(n, H * C)                   # concat=True
    out = out + bias
    return out

if __name__ == "__main__":
    import jax
    _d = setup_inputs()
    print(jax.jit(kernel)(*tuple(_d.values())))

</pallas_src>

<mosaic_0001>
#map = affine_map<(d0, d1) -> (0)>
module attributes {stable_mosaic.version = 14 : i64} {
  func.func @_edge_body(%arg0: i32, %arg1: i32, %arg2: memref<20480xf32, #tpu.memory_space<hbm>>, %arg3: memref<640000xi32, #tpu.memory_space<hbm>>, %arg4: memref<20480xf32, #tpu.memory_space<hbm>>, %arg5: memref<10240xf32, #tpu.memory_space<vmem>>, %arg6: memref<10240xf32, #tpu.memory_space<vmem>>, %arg7: memref<20000xi32, #tpu.memory_space<vmem>>, %arg8: memref<20000xi32, #tpu.memory_space<vmem>>, %arg9: memref<20000xf32, #tpu.memory_space<vmem>>, %arg10: memref<10240xf32, #tpu.memory_space<vmem>>, %arg11: memref<16x640xf32, #tpu.memory_space<vmem>>, %arg12: memref<16x10240xf32, #tpu.memory_space<vmem_shared>>, %arg13: memref<10240xf32, #tpu.memory_space<vmem_shared>>, %arg14: memref<!tpu.dma_semaphore, #tpu.memory_space<semaphore_mem>>) attributes {dimension_semantics = [#tpu.dimension_semantics<core_parallel>, #tpu.dimension_semantics<subcore_parallel>], iteration_bounds = array<i64: 2, 16>, scalar_prefetch = 0 : i64, scratch_operands = 10 : i64, tpu.core_type = #tpu.core_type<sc_vector_subcore>, window_params = [{transform_indices = #map}, {transform_indices = #map}, {transform_indices = #map}]} {
    %mul3A = arith.constant 20000 : i32
    %mul3A_0 = arith.muli %arg1, %mul3A : i32
    %mul3A_1 = arith.constant 640 : i32
    %mul3A_2 = arith.muli %arg1, %mul3A_1 : i32
    %add3A = arith.constant 320000 : i32
    %add3A_3 = arith.addi %add3A, %mul3A_0 : i32
    %dma_start3A = arith.constant 0 : i32
    %dma_start3A_4 = tpu.memref_slice %arg2[%dma_start3A] : memref<20480xf32, #tpu.memory_space<hbm>> -> memref<10240xf32, #tpu.memory_space<hbm>>
    %dma_start3A_5 = arith.constant 0 : i32
    %dma_start3A_6 = tpu.memref_slice %arg2[%dma_start3A_5] : memref<20480xf32, #tpu.memory_space<hbm>> -> memref<10240xf32, #tpu.memory_space<hbm>>
    tpu.enqueue_dma source(%dma_start3A_6 : memref<10240xf32, #tpu.memory_space<hbm>>) target(%arg5 : memref<10240xf32, #tpu.memory_space<vmem>>) target_semaphore(%arg14 : memref<!tpu.dma_semaphore, #tpu.memory_space<semaphore_mem>>)
    %dma_start3A_7 = arith.constant 10240 : i32
    %dma_start3A_8 = tpu.memref_slice %arg2[%dma_start3A_7] : memref<20480xf32, #tpu.memory_space<hbm>> -> memref<10240xf32, #tpu.memory_space<hbm>>
    %dma_start3A_9 = arith.constant 10240 : i32
    %dma_start3A_10 = tpu.memref_slice %arg2[%dma_start3A_9] : memref<20480xf32, #tpu.memory_space<hbm>> -> memref<10240xf32, #tpu.memory_space<hbm>>
    tpu.enqueue_dma source(%dma_start3A_10 : memref<10240xf32, #tpu.memory_space<hbm>>) target(%arg6 : memref<10240xf32, #tpu.memory_space<vmem>>) target_semaphore(%arg14 : memref<!tpu.dma_semaphore, #tpu.memory_space<semaphore_mem>>)
    %dma_start3A_11 = tpu.memref_slice %arg3[%mul3A_0] : memref<640000xi32, #tpu.memory_space<hbm>> -> memref<20000xi32, #tpu.memory_space<hbm>>
    %dma_start3A_12 = tpu.memref_slice %arg3[%mul3A_0] : memref<640000xi32, #tpu.memory_space<hbm>> -> memref<20000xi32, #tpu.memory_space<hbm>>
    tpu.enqueue_dma source(%dma_start3A_12 : memref<20000xi32, #tpu.memory_space<hbm>>) target(%arg7 : memref<20000xi32, #tpu.memory_space<vmem>>) target_semaphore(%arg14 : memref<!tpu.dma_semaphore, #tpu.memory_space<semaphore_mem>>)
    %dma_start3A_13 = tpu.memref_slice %arg3[%add3A_3] : memref<640000xi32, #tpu.memory_space<hbm>> -> memref<20000xi32, #tpu.memory_space<hbm>>
    %dma_start3A_14 = tpu.memref_slice %arg3[%add3A_3] : memref<640000xi32, #tpu.memory_space<hbm>> -> memref<20000xi32, #tpu.memory_space<hbm>>
    tpu.enqueue_dma source(%dma_start3A_14 : memref<20000xi32, #tpu.memory_space<hbm>>) target(%arg8 : memref<20000xi32, #tpu.memory_space<vmem>>) target_semaphore(%arg14 : memref<!tpu.dma_semaphore, #tpu.memory_space<semaphore_mem>>)
    %broadcast_in_dim3A = arith.constant 0.000000e+00 : f32
    %broadcast_in_dim3A_15 = vector.broadcast %broadcast_in_dim3A : f32 to vector<16xf32>
    %parallel_loop3A = arith.constant 0 : i32
    %parallel_loop3A_16 = arith.constant 640 : i32
    %parallel_loop3A_17 = arith.constant 1 : i32
    scf.for %parallel_loop3A_55 = %parallel_loop3A to %parallel_loop3A_16 step %parallel_loop3A_17  : i32 {
      %parallel_loop3A_56 = arith.constant 16 : i32
      %parallel_loop3A_57 = arith.muli %parallel_loop3A_55, %parallel_loop3A_56 : i32
      %parallel_loop3A_58 = arith.index_cast %parallel_loop3A_57 : i32 to index
      %parallel_loop3A_59 = tpu.vector_load %arg10[%parallel_loop3A_58] {strides = array<i32>} : memref<10240xf32, #tpu.memory_space<vmem>>, vector<16xf32>,
      tpu.vector_store %arg10[%parallel_loop3A_58], %broadcast_in_dim3A_15 {strides = array<i32>} : memref<10240xf32, #tpu.memory_space<vmem>>, vector<16xf32>,
    } {sc.loop_unroll_factor = 8 : i64, sc.parallel_access}
    %dma_wait3A = arith.constant 0 : i32
    %dma_wait3A_18 = tpu.memref_slice %arg2[%dma_wait3A] : memref<20480xf32, #tpu.memory_space<hbm>> -> memref<10240xf32, #tpu.memory_space<hbm>>
    %dma_wait3A_19 = arith.constant 0 : i32
    %dma_wait3A_20 = tpu.memref_slice %arg2[%dma_wait3A_19] : memref<20480xf32, #tpu.memory_space<hbm>> -> memref<10240xf32, #tpu.memory_space<hbm>>
    tpu.wait_dma2 semaphore(%arg14 : memref<!tpu.dma_semaphore, #tpu.memory_space<semaphore_mem>>) src(%dma_wait3A_20 : memref<10240xf32, #tpu.memory_space<hbm>>) dst(%arg5 : memref<10240xf32, #tpu.memory_space<vmem>>)
    %dma_wait3A_21 = arith.constant 10240 : i32
    %dma_wait3A_22 = tpu.memref_slice %arg2[%dma_wait3A_21] : memref<20480xf32, #tpu.memory_space<hbm>> -> memref<10240xf32, #tpu.memory_space<hbm>>
    %dma_wait3A_23 = arith.constant 10240 : i32
    %dma_wait3A_24 = tpu.memref_slice %arg2[%dma_wait3A_23] : memref<20480xf32, #tpu.memory_space<hbm>> -> memref<10240xf32, #tpu.memory_space<hbm>>
    tpu.wait_dma2 semaphore(%arg14 : memref<!tpu.dma_semaphore, #tpu.memory_space<semaphore_mem>>) src(%dma_wait3A_24 : memref<10240xf32, #tpu.memory_space<hbm>>) dst(%arg6 : memref<10240xf32, #tpu.memory_space<vmem>>)
    %dma_wait3A_25 = tpu.memref_slice %arg3[%mul3A_0] : memref<640000xi32, #tpu.memory_space<hbm>> -> memref<20000xi32, #tpu.memory_space<hbm>>
    %dma_wait3A_26 = tpu.memref_slice %arg3[%mul3A_0] : memref<640000xi32, #tpu.memory_space<hbm>> -> memref<20000xi32, #tpu.memory_space<hbm>>
    tpu.wait_dma2 semaphore(%arg14 : memref<!tpu.dma_semaphore, #tpu.memory_space<semaphore_mem>>) src(%dma_wait3A_26 : memref<20000xi32, #tpu.memory_space<hbm>>) dst(%arg7 : memref<20000xi32, #tpu.memory_space<vmem>>)
    %dma_wait3A_27 = tpu.memref_slice %arg3[%add3A_3] : memref<640000xi32, #tpu.memory_space<hbm>> -> memref<20000xi32, #tpu.memory_space<hbm>>
    %dma_wait3A_28 = tpu.memref_slice %arg3[%add3A_3] : memref<640000xi32, #tpu.memory_space<hbm>> -> memref<20000xi32, #tpu.memory_space<hbm>>
    tpu.wait_dma2 semaphore(%arg14 : memref<!tpu.dma_semaphore, #tpu.memory_space<semaphore_mem>>) src(%dma_wait3A_28 : memref<20000xi32, #tpu.memory_space<hbm>>) dst(%arg8 : memref<20000xi32, #tpu.memory_space<vmem>>)
    %parallel_loop3A_29 = arith.constant 0 : i32
    %parallel_loop3A_30 = arith.constant 1250 : i32
    %parallel_loop3A_31 = arith.constant 1 : i32
    scf.for %parallel_loop3A_55 = %parallel_loop3A_29 to %parallel_loop3A_30 step %parallel_loop3A_31  : i32 {
      %parallel_loop3A_56 = arith.constant 16 : i32
      %parallel_loop3A_57 = arith.muli %parallel_loop3A_55, %parallel_loop3A_56 : i32
      %parallel_loop3A_58 = arith.index_cast %parallel_loop3A_57 : i32 to index
      %parallel_loop3A_59 = tpu.vector_load %arg7[%parallel_loop3A_58] {strides = array<i32>} : memref<20000xi32, #tpu.memory_space<vmem>>, vector<16xi32>,
      %parallel_loop3A_60 = arith.index_cast %parallel_loop3A_57 : i32 to index
      %parallel_loop3A_61 = tpu.vector_load %arg8[%parallel_loop3A_60] {strides = array<i32>} : memref<20000xi32, #tpu.memory_space<vmem>>, vector<16xi32>,
      %parallel_loop3A_62 = tpu.vector_load_idx %arg5[%parallel_loop3A_59] : memref<10240xf32, #tpu.memory_space<vmem>>[vector<16xi32>], vector<16xf32>,
      %parallel_loop3A_63 = tpu.vector_load_idx %arg6[%parallel_loop3A_61] : memref<10240xf32, #tpu.memory_space<vmem>>[vector<16xi32>], vector<16xf32>,
      %parallel_loop3A_64 = arith.addf %parallel_loop3A_62, %parallel_loop3A_63 : vector<16xf32>
      %parallel_loop3A_65 = arith.constant 0.000000e+00 : f32
      %parallel_loop3A_66 = vector.broadcast %parallel_loop3A_65 : f32 to vector<16xf32>
      %parallel_loop3A_67 = arith.cmpf ogt, %parallel_loop3A_64, %parallel_loop3A_66 : vector<16xf32>
      %parallel_loop3A_68 = arith.constant 2.000000e-01 : f32
      %parallel_loop3A_69 = vector.broadcast %parallel_loop3A_68 : f32 to vector<16xf32>
      %parallel_loop3A_70 = arith.mulf %parallel_loop3A_69, %parallel_loop3A_64 : vector<16xf32>
      %parallel_loop3A_71 = arith.select %parallel_loop3A_67, %parallel_loop3A_64, %parallel_loop3A_70 : vector<16xi1>, vector<16xf32>
      %parallel_loop3A_72 = math.exp %parallel_loop3A_71 : vector<16xf32>
      %parallel_loop3A_73 = arith.index_cast %parallel_loop3A_57 : i32 to index
      %parallel_loop3A_74 = tpu.vector_load %arg9[%parallel_loop3A_73] {strides = array<i32>} : memref<20000xf32, #tpu.memory_space<vmem>>, vector<16xf32>,
      tpu.vector_store %arg9[%parallel_loop3A_73], %parallel_loop3A_72 {strides = array<i32>} : memref<20000xf32, #tpu.memory_space<vmem>>, vector<16xf32>,
      %parallel_loop3A_75 = arith.constant 1.000000e+00 : f32
      %parallel_loop3A_76 = vector.broadcast %parallel_loop3A_75 : f32 to vector<16xf32>
      %parallel_loop3A_77 = arith.subf %parallel_loop3A_72, %parallel_loop3A_76 : vector<16xf32>
      tpu.vector_store_idx %arg10[%parallel_loop3A_59], %parallel_loop3A_77 {add = true} : memref<10240xf32, #tpu.memory_space<vmem>>[vector<16xi32>], vector<16xf32>,
    } {sc.loop_unroll_factor = 8 : i64, sc.parallel_access}
    "tpu.region"() ({
      %run_scoped3A = tpu.sem_alloc : memref<!tpu.dma_semaphore, #tpu.memory_space<semaphore_mem>>
      %dma_start3A_55 = arith.constant 0 : i32
      %dma_start3A_56 = tpu.memref_slice %arg12[%arg1, %dma_start3A_55] : memref<16x10240xf32, #tpu.memory_space<vmem_shared>> -> memref<1x10240xf32, #tpu.memory_space<vmem_shared>>
      %dma_start3A_57 = tpu.memref_squeeze %dma_start3A_56 : memref<1x10240xf32, #tpu.memory_space<vmem_shared>> -> memref<10240xf32, #tpu.memory_space<vmem_shared>>
      %dma_start3A_58 = arith.constant 0 : i32
      %dma_start3A_59 = tpu.memref_slice %arg12[%arg1, %dma_start3A_58] : memref<16x10240xf32, #tpu.memory_space<vmem_shared>> -> memref<1x10240xf32, #tpu.memory_space<vmem_shared>>
      %dma_start3A_60 = tpu.memref_squeeze %dma_start3A_59 : memref<1x10240xf32, #tpu.memory_space<vmem_shared>> -> memref<10240xf32, #tpu.memory_space<vmem_shared>>
      tpu.enqueue_dma source(%arg10 : memref<10240xf32, #tpu.memory_space<vmem>>) target(%dma_start3A_60 : memref<10240xf32, #tpu.memory_space<vmem_shared>>) target_semaphore(%run_scoped3A : memref<!tpu.dma_semaphore, #tpu.memory_space<semaphore_mem>>)
      %dma_wait3A_61 = arith.constant 0 : i32
      %dma_wait3A_62 = tpu.memref_slice %arg12[%arg1, %dma_wait3A_61] : memref<16x10240xf32, #tpu.memory_space<vmem_shared>> -> memref<1x10240xf32, #tpu.memory_space<vmem_shared>>
      %dma_wait3A_63 = tpu.memref_squeeze %dma_wait3A_62 : memref<1x10240xf32, #tpu.memory_space<vmem_shared>> -> memref<10240xf32, #tpu.memory_space<vmem_shared>>
      %dma_wait3A_64 = arith.constant 0 : i32
      %dma_wait3A_65 = tpu.memref_slice %arg12[%arg1, %dma_wait3A_64] : memref<16x10240xf32, #tpu.memory_space<vmem_shared>> -> memref<1x10240xf32, #tpu.memory_space<vmem_shared>>
      %dma_wait3A_66 = tpu.memref_squeeze %dma_wait3A_65 : memref<1x10240xf32, #tpu.memory_space<vmem_shared>> -> memref<10240xf32, #tpu.memory_space<vmem_shared>>
      tpu.wait_dma2 semaphore(%run_scoped3A : memref<!tpu.dma_semaphore, #tpu.memory_space<semaphore_mem>>) src(%arg10 : memref<10240xf32, #tpu.memory_space<vmem>>) dst(%dma_wait3A_66 : memref<10240xf32, #tpu.memory_space<vmem_shared>>)
      tpu.yield
    }) : () -> ()
    %barrier3A = arith.constant 0 : index
    tpu.barrier barrier_id(%barrier3A)
    "tpu.region"() ({
      %run_scoped3A = tpu.sem_alloc : memref<!tpu.dma_semaphore, #tpu.memory_space<semaphore_mem>>
      %dma_start3A_55 = arith.constant 0 : i32
      %dma_start3A_56 = tpu.memref_slice %arg12[%dma_start3A_55, %mul3A_2] : memref<16x10240xf32, #tpu.memory_space<vmem_shared>> -> memref<16x640xf32, #tpu.memory_space<vmem_shared>>
      %dma_start3A_57 = arith.constant 0 : i32
      %dma_start3A_58 = tpu.memref_slice %arg12[%dma_start3A_57, %mul3A_2] : memref<16x10240xf32, #tpu.memory_space<vmem_shared>> -> memref<16x640xf32, #tpu.memory_space<vmem_shared>>
      tpu.enqueue_dma source(%dma_start3A_58 : memref<16x640xf32, #tpu.memory_space<vmem_shared>>) target(%arg11 : memref<16x640xf32, #tpu.memory_space<vmem>>) target_semaphore(%run_scoped3A : memref<!tpu.dma_semaphore, #tpu.memory_space<semaphore_mem>>)
      %dma_wait3A_59 = arith.constant 0 : i32
      %dma_wait3A_60 = tpu.memref_slice %arg12[%dma_wait3A_59, %mul3A_2] : memref<16x10240xf32, #tpu.memory_space<vmem_shared>> -> memref<16x640xf32, #tpu.memory_space<vmem_shared>>
      %dma_wait3A_61 = arith.constant 0 : i32
      %dma_wait3A_62 = tpu.memref_slice %arg12[%dma_wait3A_61, %mul3A_2] : memref<16x10240xf32, #tpu.memory_space<vmem_shared>> -> memref<16x640xf32, #tpu.memory_space<vmem_shared>>
      tpu.wait_dma2 semaphore(%run_scoped3A : memref<!tpu.dma_semaphore, #tpu.memory_space<semaphore_mem>>) src(%dma_wait3A_62 : memref<16x640xf32, #tpu.memory_space<vmem_shared>>) dst(%arg11 : memref<16x640xf32, #tpu.memory_space<vmem>>)
      tpu.yield
    }) : () -> ()
    %parallel_loop3A_32 = arith.constant 0 : i32
    %parallel_loop3A_33 = arith.constant 40 : i32
    %parallel_loop3A_34 = arith.constant 1 : i32
    %parallel_loop3A_35 = arith.constant 3.200000e+05 : f32
    %parallel_loop3A_36 = arith.constant 1.000000e+00 : f32
    scf.for %parallel_loop3A_55 = %parallel_loop3A_32 to %parallel_loop3A_33 step %parallel_loop3A_34  : i32 {
      %parallel_loop3A_56 = arith.constant 16 : i32
      %parallel_loop3A_57 = arith.muli %parallel_loop3A_55, %parallel_loop3A_56 : i32
      %parallel_loop3A_58 = arith.constant 0 : i32
      %parallel_loop3A_59 = arith.index_cast %parallel_loop3A_58 : i32 to index
      %parallel_loop3A_60 = arith.index_cast %parallel_loop3A_57 : i32 to index
      %parallel_loop3A_61 = tpu.vector_load %arg11[%parallel_loop3A_59, %parallel_loop3A_60] {strides = array<i32>} : memref<16x640xf32, #tpu.memory_space<vmem>>, vector<16xf32>,
      %parallel_loop3A_62 = arith.constant 1 : i32
      %parallel_loop3A_63 = arith.index_cast %parallel_loop3A_62 : i32 to index
      %parallel_loop3A_64 = arith.index_cast %parallel_loop3A_57 : i32 to index
      %parallel_loop3A_65 = tpu.vector_load %arg11[%parallel_loop3A_63, %parallel_loop3A_64] {strides = array<i32>} : memref<16x640xf32, #tpu.memory_space<vmem>>, vector<16xf32>,
      %parallel_loop3A_66 = arith.addf %parallel_loop3A_61, %parallel_loop3A_65 : vector<16xf32>
      %parallel_loop3A_67 = arith.constant 2 : i32
      %parallel_loop3A_68 = arith.index_cast %parallel_loop3A_67 : i32 to index
      %parallel_loop3A_69 = arith.index_cast %parallel_loop3A_57 : i32 to index
      %parallel_loop3A_70 = tpu.vector_load %arg11[%parallel_loop3A_68, %parallel_loop3A_69] {strides = array<i32>} : memref<16x640xf32, #tpu.memory_space<vmem>>, vector<16xf32>,
      %parallel_loop3A_71 = arith.addf %parallel_loop3A_66, %parallel_loop3A_70 : vector<16xf32>
      %parallel_loop3A_72 = arith.constant 3 : i32
      %parallel_loop3A_73 = arith.index_cast %parallel_loop3A_72 : i32 to index
      %parallel_loop3A_74 = arith.index_cast %parallel_loop3A_57 : i32 to index
      %parallel_loop3A_75 = tpu.vector_load %arg11[%parallel_loop3A_73, %parallel_loop3A_74] {strides = array<i32>} : memref<16x640xf32, #tpu.memory_space<vmem>>, vector<16xf32>,
      %parallel_loop3A_76 = arith.addf %parallel_loop3A_71, %parallel_loop3A_75 : vector<16xf32>
      %parallel_loop3A_77 = arith.constant 4 : i32
      %parallel_loop3A_78 = arith.index_cast %parallel_loop3A_77 : i32 to index
      %parallel_loop3A_79 = arith.index_cast %parallel_loop3A_57 : i32 to index
      %parallel_loop3A_80 = tpu.vector_load %arg11[%parallel_loop3A_78, %parallel_loop3A_79] {strides = array<i32>} : memref<16x640xf32, #tpu.memory_space<vmem>>, vector<16xf32>,
      %parallel_loop3A_81 = arith.addf %parallel_loop3A_76, %parallel_loop3A_80 : vector<16xf32>
      %parallel_loop3A_82 = arith.constant 5 : i32
      %parallel_loop3A_83 = arith.index_cast %parallel_loop3A_82 : i32 to index
      %parallel_loop3A_84 = arith.index_cast %parallel_loop3A_57 : i32 to index
      %parallel_loop3A_85 = tpu.vector_load %arg11[%parallel_loop3A_83, %parallel_loop3A_84] {strides = array<i32>} : memref<16x640xf32, #tpu.memory_space<vmem>>, vector<16xf32>,
      %parallel_loop3A_86 = arith.addf %parallel_loop3A_81, %parallel_loop3A_85 : vector<16xf32>
      %parallel_loop3A_87 = arith.constant 6 : i32
      %parallel_loop3A_88 = arith.index_cast %parallel_loop3A_87 : i32 to index
      %parallel_loop3A_89 = arith.index_cast %parallel_loop3A_57 : i32 to index
      %parallel_loop3A_90 = tpu.vector_load %arg11[%parallel_loop3A_88, %parallel_loop3A_89] {strides = array<i32>} : memref<16x640xf32, #tpu.memory_space<vmem>>, vector<16xf32>,
      %parallel_loop3A_91 = arith.addf %parallel_loop3A_86, %parallel_loop3A_90 : vector<16xf32>
      %parallel_loop3A_92 = arith.constant 7 : i32
      %parallel_loop3A_93 = arith.index_cast %parallel_loop3A_92 : i32 to index
      %parallel_loop3A_94 = arith.index_cast %parallel_loop3A_57 : i32 to index
      %parallel_loop3A_95 = tpu.vector_load %arg11[%parallel_loop3A_93, %parallel_loop3A_94] {strides = array<i32>} : memref<16x640xf32, #tpu.memory_space<vmem>>, vector<16xf32>,
      %parallel_loop3A_96 = arith.addf %parallel_loop3A_91, %parallel_loop3A_95 : vector<16xf32>
      %parallel_loop3A_97 = arith.constant 8 : i32
      %parallel_loop3A_98 = arith.index_cast %parallel_loop3A_97 : i32 to index
      %parallel_loop3A_99 = arith.index_cast %parallel_loop3A_57 : i32 to index
      %parallel_loop3A_100 = tpu.vector_load %arg11[%parallel_loop3A_98, %parallel_loop3A_99] {strides = array<i32>} : memref<16x640xf32, #tpu.memory_space<vmem>>, vector<16xf32>,
      %parallel_loop3A_101 = arith.addf %parallel_loop3A_96, %parallel_loop3A_100 : vector<16xf32>
      %parallel_loop3A_102 = arith.constant 9 : i32
      %parallel_loop3A_103 = arith.index_cast %parallel_loop3A_102 : i32 to index
      %parallel_loop3A_104 = arith.index_cast %parallel_loop3A_57 : i32 to index
      %parallel_loop3A_105 = tpu.vector_load %arg11[%parallel_loop3A_103, %parallel_loop3A_104] {strides = array<i32>} : memref<16x640xf32, #tpu.memory_space<vmem>>, vector<16xf32>,
      %parallel_loop3A_106 = arith.addf %parallel_loop3A_101, %parallel_loop3A_105 : vector<16xf32>
      %parallel_loop3A_107 = arith.constant 10 : i32
      %parallel_loop3A_108 = arith.index_cast %parallel_loop3A_107 : i32 to index
      %parallel_loop3A_109 = arith.index_cast %parallel_loop3A_57 : i32 to index
      %parallel_loop3A_110 = tpu.vector_load %arg11[%parallel_loop3A_108, %parallel_loop3A_109] {strides = array<i32>} : memref<16x640xf32, #tpu.memory_space<vmem>>, vector<16xf32>,
      %parallel_loop3A_111 = arith.addf %parallel_loop3A_106, %parallel_loop3A_110 : vector<16xf32>
      %parallel_loop3A_112 = arith.constant 11 : i32
      %parallel_loop3A_113 = arith.index_cast %parallel_loop3A_112 : i32 to index
      %parallel_loop3A_114 = arith.index_cast %parallel_loop3A_57 : i32 to index
      %parallel_loop3A_115 = tpu.vector_load %arg11[%parallel_loop3A_113, %parallel_loop3A_114] {strides = array<i32>} : memref<16x640xf32, #tpu.memory_space<vmem>>, vector<16xf32>,
      %parallel_loop3A_116 = arith.addf %parallel_loop3A_111, %parallel_loop3A_115 : vector<16xf32>
      %parallel_loop3A_117 = arith.constant 12 : i32
      %parallel_loop3A_118 = arith.index_cast %parallel_loop3A_117 : i32 to index
      %parallel_loop3A_119 = arith.index_cast %parallel_loop3A_57 : i32 to index
      %parallel_loop3A_120 = tpu.vector_load %arg11[%parallel_loop3A_118, %parallel_loop3A_119] {strides = array<i32>} : memref<16x640xf32, #tpu.memory_space<vmem>>, vector<16xf32>,
      %parallel_loop3A_121 = arith.addf %parallel_loop3A_116, %parallel_loop3A_120 : vector<16xf32>
      %parallel_loop3A_122 = arith.constant 13 : i32
      %parallel_loop3A_123 = arith.index_cast %parallel_loop3A_122 : i32 to index
      %parallel_loop3A_124 = arith.index_cast %parallel_loop3A_57 : i32 to index
      %parallel_loop3A_125 = tpu.vector_load %arg11[%parallel_loop3A_123, %parallel_loop3A_124] {strides = array<i32>} : memref<16x640xf32, #tpu.memory_space<vmem>>, vector<16xf32>,
      %parallel_loop3A_126 = arith.addf %parallel_loop3A_121, %parallel_loop3A_125 : vector<16xf32>
      %parallel_loop3A_127 = arith.constant 14 : i32
      %parallel_loop3A_128 = arith.index_cast %parallel_loop3A_127 : i32 to index
      %parallel_loop3A_129 = arith.index_cast %parallel_loop3A_57 : i32 to index
      %parallel_loop3A_130 = tpu.vector_load %arg11[%parallel_loop3A_128, %parallel_loop3A_129] {strides = array<i32>} : memref<16x640xf32, #tpu.memory_space<vmem>>, vector<16xf32>,
      %parallel_loop3A_131 = arith.addf %parallel_loop3A_126, %parallel_loop3A_130 : vector<16xf32>
      %parallel_loop3A_132 = arith.constant 15 : i32
      %parallel_loop3A_133 = arith.index_cast %parallel_loop3A_132 : i32 to index
      %parallel_loop3A_134 = arith.index_cast %parallel_loop3A_57 : i32 to index
      %parallel_loop3A_135 = tpu.vector_load %arg11[%parallel_loop3A_133, %parallel_loop3A_134] {strides = array<i32>} : memref<16x640xf32, #tpu.memory_space<vmem>>, vector<16xf32>,
      %parallel_loop3A_136 = arith.addf %parallel_loop3A_131, %parallel_loop3A_135 : vector<16xf32>
      %parallel_loop3A_137 = vector.broadcast %parallel_loop3A_35 : f32 to vector<16xf32>
      %parallel_loop3A_138 = arith.addf %parallel_loop3A_136, %parallel_loop3A_137 : vector<16xf32>
      %parallel_loop3A_139 = vector.broadcast %parallel_loop3A_36 : f32 to vector<16xf32>
      %parallel_loop3A_140 = arith.divf %parallel_loop3A_139, %parallel_loop3A_138 : vector<16xf32>
      %parallel_loop3A_141 = arith.index_cast %parallel_loop3A_57 : i32 to index
      %parallel_loop3A_142 = tpu.vector_load %arg10[%parallel_loop3A_141] {strides = array<i32>} : memref<10240xf32, #tpu.memory_space<vmem>>, vector<16xf32>,
      tpu.vector_store %arg10[%parallel_loop3A_141], %parallel_loop3A_140 {strides = array<i32>} : memref<10240xf32, #tpu.memory_space<vmem>>, vector<16xf32>,
    } {sc.loop_unroll_factor = 4 : i64, sc.parallel_access}
    "tpu.region"() ({
      %run_scoped3A = tpu.sem_alloc : memref<!tpu.dma_semaphore, #tpu.memory_space<semaphore_mem>>
      %dma_start3A_55 = arith.constant 0 : i32
      %dma_start3A_56 = tpu.memref_slice %arg10[%dma_start3A_55] : memref<10240xf32, #tpu.memory_space<vmem>> -> memref<640xf32, #tpu.memory_space<vmem>>
      %dma_start3A_57 = tpu.memref_slice %arg13[%mul3A_2] : memref<10240xf32, #tpu.memory_space<vmem_shared>> -> memref<640xf32, #tpu.memory_space<vmem_shared>>
      %dma_start3A_58 = tpu.memref_slice %arg13[%mul3A_2] : memref<10240xf32, #tpu.memory_space<vmem_shared>> -> memref<640xf32, #tpu.memory_space<vmem_shared>>
      %dma_start3A_59 = arith.constant 0 : i32
      %dma_start3A_60 = tpu.memref_slice %arg10[%dma_start3A_59] : memref<10240xf32, #tpu.memory_space<vmem>> -> memref<640xf32, #tpu.memory_space<vmem>>
      tpu.enqueue_dma source(%dma_start3A_60 : memref<640xf32, #tpu.memory_space<vmem>>) target(%dma_start3A_58 : memref<640xf32, #tpu.memory_space<vmem_shared>>) target_semaphore(%run_scoped3A : memref<!tpu.dma_semaphore, #tpu.memory_space<semaphore_mem>>)
      %dma_wait3A_61 = arith.constant 0 : i32
      %dma_wait3A_62 = tpu.memref_slice %arg10[%dma_wait3A_61] : memref<10240xf32, #tpu.memory_space<vmem>> -> memref<640xf32, #tpu.memory_space<vmem>>
      %dma_wait3A_63 = tpu.memref_slice %arg13[%mul3A_2] : memref<10240xf32, #tpu.memory_space<vmem_shared>> -> memref<640xf32, #tpu.memory_space<vmem_shared>>
      %dma_wait3A_64 = tpu.memref_slice %arg13[%mul3A_2] : memref<10240xf32, #tpu.memory_space<vmem_shared>> -> memref<640xf32, #tpu.memory_space<vmem_shared>>
      %dma_wait3A_65 = arith.constant 0 : i32
      %dma_wait3A_66 = tpu.memref_slice %arg10[%dma_wait3A_65] : memref<10240xf32, #tpu.memory_space<vmem>> -> memref<640xf32, #tpu.memory_space<vmem>>
      tpu.wait_dma2 semaphore(%run_scoped3A : memref<!tpu.dma_semaphore, #tpu.memory_space<semaphore_mem>>) src(%dma_wait3A_66 : memref<640xf32, #tpu.memory_space<vmem>>) dst(%dma_wait3A_64 : memref<640xf32, #tpu.memory_space<vmem_shared>>)
      tpu.yield
    }) : () -> ()
    %barrier3A_37 = arith.constant 0 : index
    tpu.barrier barrier_id(%barrier3A_37)
    "tpu.region"() ({
      %run_scoped3A = tpu.sem_alloc : memref<!tpu.dma_semaphore, #tpu.memory_space<semaphore_mem>>
      tpu.enqueue_dma source(%arg13 : memref<10240xf32, #tpu.memory_space<vmem_shared>>) target(%arg10 : memref<10240xf32, #tpu.memory_space<vmem>>) target_semaphore(%run_scoped3A : memref<!tpu.dma_semaphore, #tpu.memory_space<semaphore_mem>>)
      tpu.wait_dma2 semaphore(%run_scoped3A : memref<!tpu.dma_semaphore, #tpu.memory_space<semaphore_mem>>) src(%arg13 : memref<10240xf32, #tpu.memory_space<vmem_shared>>) dst(%arg10 : memref<10240xf32, #tpu.memory_space<vmem>>)
      tpu.yield
    }) : () -> ()
    %parallel_loop3A_38 = arith.constant 0 : i32
    %parallel_loop3A_39 = arith.constant 640 : i32
    %parallel_loop3A_40 = arith.constant 1 : i32
    scf.for %parallel_loop3A_55 = %parallel_loop3A_38 to %parallel_loop3A_39 step %parallel_loop3A_40  : i32 {
      %parallel_loop3A_56 = arith.constant 16 : i32
      %parallel_loop3A_57 = arith.muli %parallel_loop3A_55, %parallel_loop3A_56 : i32
      %parallel_loop3A_58 = arith.index_cast %parallel_loop3A_57 : i32 to index
      %parallel_loop3A_59 = tpu.vector_load %arg5[%parallel_loop3A_58] {strides = array<i32>} : memref<10240xf32, #tpu.memory_space<vmem>>, vector<16xf32>,
      tpu.vector_store %arg5[%parallel_loop3A_58], %broadcast_in_dim3A_15 {strides = array<i32>} : memref<10240xf32, #tpu.memory_space<vmem>>, vector<16xf32>,
    } {sc.loop_unroll_factor = 8 : i64, sc.parallel_access}
    %mul3A_41 = arith.constant 625 : i32
    %mul3A_42 = arith.muli %arg0, %mul3A_41 : i32
    %mul3A_43 = arith.constant 16 : i32
    %mul3A_44 = arith.muli %mul3A_42, %mul3A_43 : i32
    %parallel_loop3A_45 = arith.constant 0 : i32
    %parallel_loop3A_46 = arith.constant 625 : i32
    %parallel_loop3A_47 = arith.constant 1 : i32
    scf.for %parallel_loop3A_55 = %parallel_loop3A_45 to %parallel_loop3A_46 step %parallel_loop3A_47  : i32 {
      %parallel_loop3A_56 = arith.constant 16 : i32
      %parallel_loop3A_57 = arith.muli %parallel_loop3A_55, %parallel_loop3A_56 : i32
      %parallel_loop3A_58 = arith.addi %mul3A_44, %parallel_loop3A_57 : i32
      %parallel_loop3A_59 = arith.index_cast %parallel_loop3A_58 : i32 to index
      %parallel_loop3A_60 = tpu.vector_load %arg7[%parallel_loop3A_59] {strides = array<i32>} : memref<20000xi32, #tpu.memory_space<vmem>>, vector<16xi32>,
      %parallel_loop3A_61 = arith.index_cast %parallel_loop3A_58 : i32 to index
      %parallel_loop3A_62 = tpu.vector_load %arg8[%parallel_loop3A_61] {strides = array<i32>} : memref<20000xi32, #tpu.memory_space<vmem>>, vector<16xi32>,
      %parallel_loop3A_63 = arith.index_cast %parallel_loop3A_58 : i32 to index
      %parallel_loop3A_64 = tpu.vector_load %arg9[%parallel_loop3A_63] {strides = array<i32>} : memref<20000xf32, #tpu.memory_space<vmem>>, vector<16xf32>,
      %parallel_loop3A_65 = tpu.vector_load_idx %arg10[%parallel_loop3A_60] : memref<10240xf32, #tpu.memory_space<vmem>>[vector<16xi32>], vector<16xf32>,
      %parallel_loop3A_66 = arith.mulf %parallel_loop3A_64, %parallel_loop3A_65 : vector<16xf32>
      tpu.vector_store_idx %arg5[%parallel_loop3A_62], %parallel_loop3A_66 {add = true} : memref<10240xf32, #tpu.memory_space<vmem>>[vector<16xi32>], vector<16xf32>,
    } {sc.loop_unroll_factor = 8 : i64, sc.parallel_access}
    "tpu.region"() ({
      %run_scoped3A = tpu.sem_alloc : memref<!tpu.dma_semaphore, #tpu.memory_space<semaphore_mem>>
      %dma_start3A_55 = arith.constant 0 : i32
      %dma_start3A_56 = tpu.memref_slice %arg12[%arg1, %dma_start3A_55] : memref<16x10240xf32, #tpu.memory_space<vmem_shared>> -> memref<1x10240xf32, #tpu.memory_space<vmem_shared>>
      %dma_start3A_57 = tpu.memref_squeeze %dma_start3A_56 : memref<1x10240xf32, #tpu.memory_space<vmem_shared>> -> memref<10240xf32, #tpu.memory_space<vmem_shared>>
      %dma_start3A_58 = arith.constant 0 : i32
      %dma_start3A_59 = tpu.memref_slice %arg12[%arg1, %dma_start3A_58] : memref<16x10240xf32, #tpu.memory_space<vmem_shared>> -> memref<1x10240xf32, #tpu.memory_space<vmem_shared>>
      %dma_start3A_60 = tpu.memref_squeeze %dma_start3A_59 : memref<1x10240xf32, #tpu.memory_space<vmem_shared>> -> memref<10240xf32, #tpu.memory_space<vmem_shared>>
      tpu.enqueue_dma source(%arg5 : memref<10240xf32, #tpu.memory_space<vmem>>) target(%dma_start3A_60 : memref<10240xf32, #tpu.memory_space<vmem_shared>>) target_semaphore(%run_scoped3A : memref<!tpu.dma_semaphore, #tpu.memory_space<semaphore_mem>>)
      %dma_wait3A_61 = arith.constant 0 : i32
      %dma_wait3A_62 = tpu.memref_slice %arg12[%arg1, %dma_wait3A_61] : memref<16x10240xf32, #tpu.memory_space<vmem_shared>> -> memref<1x10240xf32, #tpu.memory_space<vmem_shared>>
      %dma_wait3A_63 = tpu.memref_squeeze %dma_wait3A_62 : memref<1x10240xf32, #tpu.memory_space<vmem_shared>> -> memref<10240xf32, #tpu.memory_space<vmem_shared>>
      %dma_wait3A_64 = arith.constant 0 : i32
      %dma_wait3A_65 = tpu.memref_slice %arg12[%arg1, %dma_wait3A_64] : memref<16x10240xf32, #tpu.memory_space<vmem_shared>> -> memref<1x10240xf32, #tpu.memory_space<vmem_shared>>
      %dma_wait3A_66 = tpu.memref_squeeze %dma_wait3A_65 : memref<1x10240xf32, #tpu.memory_space<vmem_shared>> -> memref<10240xf32, #tpu.memory_space<vmem_shared>>
      tpu.wait_dma2 semaphore(%run_scoped3A : memref<!tpu.dma_semaphore, #tpu.memory_space<semaphore_mem>>) src(%arg5 : memref<10240xf32, #tpu.memory_space<vmem>>) dst(%dma_wait3A_66 : memref<10240xf32, #tpu.memory_space<vmem_shared>>)
      tpu.yield
    }) : () -> ()
    %barrier3A_48 = arith.constant 0 : index
    tpu.barrier barrier_id(%barrier3A_48)
    "tpu.region"() ({
      %run_scoped3A = tpu.sem_alloc : memref<!tpu.dma_semaphore, #tpu.memory_space<semaphore_mem>>
      %dma_start3A_55 = arith.constant 0 : i32
      %dma_start3A_56 = tpu.memref_slice %arg12[%dma_start3A_55, %mul3A_2] : memref<16x10240xf32, #tpu.memory_space<vmem_shared>> -> memref<16x640xf32, #tpu.memory_space<vmem_shared>>
      %dma_start3A_57 = arith.constant 0 : i32
      %dma_start3A_58 = tpu.memref_slice %arg12[%dma_start3A_57, %mul3A_2] : memref<16x10240xf32, #tpu.memory_space<vmem_shared>> -> memref<16x640xf32, #tpu.memory_space<vmem_shared>>
      tpu.enqueue_dma source(%dma_start3A_58 : memref<16x640xf32, #tpu.memory_space<vmem_shared>>) target(%arg11 : memref<16x640xf32, #tpu.memory_space<vmem>>) target_semaphore(%run_scoped3A : memref<!tpu.dma_semaphore, #tpu.memory_space<semaphore_mem>>)
      %dma_wait3A_59 = arith.constant 0 : i32
      %dma_wait3A_60 = tpu.memref_slice %arg12[%dma_wait3A_59, %mul3A_2] : memref<16x10240xf32, #tpu.memory_space<vmem_shared>> -> memref<16x640xf32, #tpu.memory_space<vmem_shared>>
      %dma_wait3A_61 = arith.constant 0 : i32
      %dma_wait3A_62 = tpu.memref_slice %arg12[%dma_wait3A_61, %mul3A_2] : memref<16x10240xf32, #tpu.memory_space<vmem_shared>> -> memref<16x640xf32, #tpu.memory_space<vmem_shared>>
      tpu.wait_dma2 semaphore(%run_scoped3A : memref<!tpu.dma_semaphore, #tpu.memory_space<semaphore_mem>>) src(%dma_wait3A_62 : memref<16x640xf32, #tpu.memory_space<vmem_shared>>) dst(%arg11 : memref<16x640xf32, #tpu.memory_space<vmem>>)
      tpu.yield
    }) : () -> ()
    %parallel_loop3A_49 = arith.constant 0 : i32
    %parallel_loop3A_50 = arith.constant 40 : i32
    %parallel_loop3A_51 = arith.constant 1 : i32
    scf.for %parallel_loop3A_55 = %parallel_loop3A_49 to %parallel_loop3A_50 step %parallel_loop3A_51  : i32 {
      %parallel_loop3A_56 = arith.constant 16 : i32
      %parallel_loop3A_57 = arith.muli %parallel_loop3A_55, %parallel_loop3A_56 : i32
      %parallel_loop3A_58 = arith.constant 0 : i32
      %parallel_loop3A_59 = arith.index_cast %parallel_loop3A_58 : i32 to index
      %parallel_loop3A_60 = arith.index_cast %parallel_loop3A_57 : i32 to index
      %parallel_loop3A_61 = tpu.vector_load %arg11[%parallel_loop3A_59, %parallel_loop3A_60] {strides = array<i32>} : memref<16x640xf32, #tpu.memory_space<vmem>>, vector<16xf32>,
      %parallel_loop3A_62 = arith.constant 1 : i32
      %parallel_loop3A_63 = arith.index_cast %parallel_loop3A_62 : i32 to index
      %parallel_loop3A_64 = arith.index_cast %parallel_loop3A_57 : i32 to index
      %parallel_loop3A_65 = tpu.vector_load %arg11[%parallel_loop3A_63, %parallel_loop3A_64] {strides = array<i32>} : memref<16x640xf32, #tpu.memory_space<vmem>>, vector<16xf32>,
      %parallel_loop3A_66 = arith.addf %parallel_loop3A_61, %parallel_loop3A_65 : vector<16xf32>
      %parallel_loop3A_67 = arith.constant 2 : i32
      %parallel_loop3A_68 = arith.index_cast %parallel_loop3A_67 : i32 to index
      %parallel_loop3A_69 = arith.index_cast %parallel_loop3A_57 : i32 to index
      %parallel_loop3A_70 = tpu.vector_load %arg11[%parallel_loop3A_68, %parallel_loop3A_69] {strides = array<i32>} : memref<16x640xf32, #tpu.memory_space<vmem>>, vector<16xf32>,
      %parallel_loop3A_71 = arith.addf %parallel_loop3A_66, %parallel_loop3A_70 : vector<16xf32>
      %parallel_loop3A_72 = arith.constant 3 : i32
      %parallel_loop3A_73 = arith.index_cast %parallel_loop3A_72 : i32 to index
      %parallel_loop3A_74 = arith.index_cast %parallel_loop3A_57 : i32 to index
      %parallel_loop3A_75 = tpu.vector_load %arg11[%parallel_loop3A_73, %parallel_loop3A_74] {strides = array<i32>} : memref<16x640xf32, #tpu.memory_space<vmem>>, vector<16xf32>,
      %parallel_loop3A_76 = arith.addf %parallel_loop3A_71, %parallel_loop3A_75 : vector<16xf32>
      %parallel_loop3A_77 = arith.constant 4 : i32
      %parallel_loop3A_78 = arith.index_cast %parallel_loop3A_77 : i32 to index
      %parallel_loop3A_79 = arith.index_cast %parallel_loop3A_57 : i32 to index
      %parallel_loop3A_80 = tpu.vector_load %arg11[%parallel_loop3A_78, %parallel_loop3A_79] {strides = array<i32>} : memref<16x640xf32, #tpu.memory_space<vmem>>, vector<16xf32>,
      %parallel_loop3A_81 = arith.addf %parallel_loop3A_76, %parallel_loop3A_80 : vector<16xf32>
      %parallel_loop3A_82 = arith.constant 5 : i32
      %parallel_loop3A_83 = arith.index_cast %parallel_loop3A_82 : i32 to index
      %parallel_loop3A_84 = arith.index_cast %parallel_loop3A_57 : i32 to index
      %parallel_loop3A_85 = tpu.vector_load %arg11[%parallel_loop3A_83, %parallel_loop3A_84] {strides = array<i32>} : memref<16x640xf32, #tpu.memory_space<vmem>>, vector<16xf32>,
      %parallel_loop3A_86 = arith.addf %parallel_loop3A_81, %parallel_loop3A_85 : vector<16xf32>
      %parallel_loop3A_87 = arith.constant 6 : i32
      %parallel_loop3A_88 = arith.index_cast %parallel_loop3A_87 : i32 to index
      %parallel_loop3A_89 = arith.index_cast %parallel_loop3A_57 : i32 to index
      %parallel_loop3A_90 = tpu.vector_load %arg11[%parallel_loop3A_88, %parallel_loop3A_89] {strides = array<i32>} : memref<16x640xf32, #tpu.memory_space<vmem>>, vector<16xf32>,
      %parallel_loop3A_91 = arith.addf %parallel_loop3A_86, %parallel_loop3A_90 : vector<16xf32>
      %parallel_loop3A_92 = arith.constant 7 : i32
      %parallel_loop3A_93 = arith.index_cast %parallel_loop3A_92 : i32 to index
      %parallel_loop3A_94 = arith.index_cast %parallel_loop3A_57 : i32 to index
      %parallel_loop3A_95 = tpu.vector_load %arg11[%parallel_loop3A_93, %parallel_loop3A_94] {strides = array<i32>} : memref<16x640xf32, #tpu.memory_space<vmem>>, vector<16xf32>,
      %parallel_loop3A_96 = arith.addf %parallel_loop3A_91, %parallel_loop3A_95 : vector<16xf32>
      %parallel_loop3A_97 = arith.constant 8 : i32
      %parallel_loop3A_98 = arith.index_cast %parallel_loop3A_97 : i32 to index
      %parallel_loop3A_99 = arith.index_cast %parallel_loop3A_57 : i32 to index
      %parallel_loop3A_100 = tpu.vector_load %arg11[%parallel_loop3A_98, %parallel_loop3A_99] {strides = array<i32>} : memref<16x640xf32, #tpu.memory_space<vmem>>, vector<16xf32>,
      %parallel_loop3A_101 = arith.addf %parallel_loop3A_96, %parallel_loop3A_100 : vector<16xf32>
      %parallel_loop3A_102 = arith.constant 9 : i32
      %parallel_loop3A_103 = arith.index_cast %parallel_loop3A_102 : i32 to index
      %parallel_loop3A_104 = arith.index_cast %parallel_loop3A_57 : i32 to index
      %parallel_loop3A_105 = tpu.vector_load %arg11[%parallel_loop3A_103, %parallel_loop3A_104] {strides = array<i32>} : memref<16x640xf32, #tpu.memory_space<vmem>>, vector<16xf32>,
      %parallel_loop3A_106 = arith.addf %parallel_loop3A_101, %parallel_loop3A_105 : vector<16xf32>
      %parallel_loop3A_107 = arith.constant 10 : i32
      %parallel_loop3A_108 = arith.index_cast %parallel_loop3A_107 : i32 to index
      %parallel_loop3A_109 = arith.index_cast %parallel_loop3A_57 : i32 to index
      %parallel_loop3A_110 = tpu.vector_load %arg11[%parallel_loop3A_108, %parallel_loop3A_109] {strides = array<i32>} : memref<16x640xf32, #tpu.memory_space<vmem>>, vector<16xf32>,
      %parallel_loop3A_111 = arith.addf %parallel_loop3A_106, %parallel_loop3A_110 : vector<16xf32>
      %parallel_loop3A_112 = arith.constant 11 : i32
      %parallel_loop3A_113 = arith.index_cast %parallel_loop3A_112 : i32 to index
      %parallel_loop3A_114 = arith.index_cast %parallel_loop3A_57 : i32 to index
      %parallel_loop3A_115 = tpu.vector_load %arg11[%parallel_loop3A_113, %parallel_loop3A_114] {strides = array<i32>} : memref<16x640xf32, #tpu.memory_space<vmem>>, vector<16xf32>,
      %parallel_loop3A_116 = arith.addf %parallel_loop3A_111, %parallel_loop3A_115 : vector<16xf32>
      %parallel_loop3A_117 = arith.constant 12 : i32
      %parallel_loop3A_118 = arith.index_cast %parallel_loop3A_117 : i32 to index
      %parallel_loop3A_119 = arith.index_cast %parallel_loop3A_57 : i32 to index
      %parallel_loop3A_120 = tpu.vector_load %arg11[%parallel_loop3A_118, %parallel_loop3A_119] {strides = array<i32>} : memref<16x640xf32, #tpu.memory_space<vmem>>, vector<16xf32>,
      %parallel_loop3A_121 = arith.addf %parallel_loop3A_116, %parallel_loop3A_120 : vector<16xf32>
      %parallel_loop3A_122 = arith.constant 13 : i32
      %parallel_loop3A_123 = arith.index_cast %parallel_loop3A_122 : i32 to index
      %parallel_loop3A_124 = arith.index_cast %parallel_loop3A_57 : i32 to index
      %parallel_loop3A_125 = tpu.vector_load %arg11[%parallel_loop3A_123, %parallel_loop3A_124] {strides = array<i32>} : memref<16x640xf32, #tpu.memory_space<vmem>>, vector<16xf32>,
      %parallel_loop3A_126 = arith.addf %parallel_loop3A_121, %parallel_loop3A_125 : vector<16xf32>
      %parallel_loop3A_127 = arith.constant 14 : i32
      %parallel_loop3A_128 = arith.index_cast %parallel_loop3A_127 : i32 to index
      %parallel_loop3A_129 = arith.index_cast %parallel_loop3A_57 : i32 to index
      %parallel_loop3A_130 = tpu.vector_load %arg11[%parallel_loop3A_128, %parallel_loop3A_129] {strides = array<i32>} : memref<16x640xf32, #tpu.memory_space<vmem>>, vector<16xf32>,
      %parallel_loop3A_131 = arith.addf %parallel_loop3A_126, %parallel_loop3A_130 : vector<16xf32>
      %parallel_loop3A_132 = arith.constant 15 : i32
      %parallel_loop3A_133 = arith.index_cast %parallel_loop3A_132 : i32 to index
      %parallel_loop3A_134 = arith.index_cast %parallel_loop3A_57 : i32 to index
      %parallel_loop3A_135 = tpu.vector_load %arg11[%parallel_loop3A_133, %parallel_loop3A_134] {strides = array<i32>} : memref<16x640xf32, #tpu.memory_space<vmem>>, vector<16xf32>,
      %parallel_loop3A_136 = arith.addf %parallel_loop3A_131, %parallel_loop3A_135 : vector<16xf32>
      %parallel_loop3A_137 = arith.index_cast %parallel_loop3A_57 : i32 to index
      %parallel_loop3A_138 = tpu.vector_load %arg10[%parallel_loop3A_137] {strides = array<i32>} : memref<10240xf32, #tpu.memory_space<vmem>>, vector<16xf32>,
      tpu.vector_store %arg10[%parallel_loop3A_137], %parallel_loop3A_136 {strides = array<i32>} : memref<10240xf32, #tpu.memory_space<vmem>>, vector<16xf32>,
    } {sc.loop_unroll_factor = 4 : i64, sc.parallel_access}
    %mul3A_52 = arith.constant 10240 : i32
    %mul3A_53 = arith.muli %arg0, %mul3A_52 : i32
    %add3A_54 = arith.addi %mul3A_53, %mul3A_2 : i32
    "tpu.region"() ({
      %run_scoped3A = tpu.sem_alloc : memref<!tpu.dma_semaphore, #tpu.memory_space<semaphore_mem>>
      %dma_start3A_55 = arith.constant 0 : i32
      %dma_start3A_56 = tpu.memref_slice %arg10[%dma_start3A_55] : memref<10240xf32, #tpu.memory_space<vmem>> -> memref<640xf32, #tpu.memory_space<vmem>>
      %dma_start3A_57 = tpu.memref_slice %arg4[%add3A_54] : memref<20480xf32, #tpu.memory_space<hbm>> -> memref<640xf32, #tpu.memory_space<hbm>>
      %dma_start3A_58 = tpu.memref_slice %arg4[%add3A_54] : memref<20480xf32, #tpu.memory_space<hbm>> -> memref<640xf32, #tpu.memory_space<hbm>>
      %dma_start3A_59 = arith.constant 0 : i32
      %dma_start3A_60 = tpu.memref_slice %arg10[%dma_start3A_59] : memref<10240xf32, #tpu.memory_space<vmem>> -> memref<640xf32, #tpu.memory_space<vmem>>
      tpu.enqueue_dma source(%dma_start3A_60 : memref<640xf32, #tpu.memory_space<vmem>>) target(%dma_start3A_58 : memref<640xf32, #tpu.memory_space<hbm>>) target_semaphore(%run_scoped3A : memref<!tpu.dma_semaphore, #tpu.memory_space<semaphore_mem>>)
      %dma_wait3A_61 = arith.constant 0 : i32
      %dma_wait3A_62 = tpu.memref_slice %arg10[%dma_wait3A_61] : memref<10240xf32, #tpu.memory_space<vmem>> -> memref<640xf32, #tpu.memory_space<vmem>>
      %dma_wait3A_63 = tpu.memref_slice %arg4[%add3A_54] : memref<20480xf32, #tpu.memory_space<hbm>> -> memref<640xf32, #tpu.memory_space<hbm>>
      %dma_wait3A_64 = tpu.memref_slice %arg4[%add3A_54] : memref<20480xf32, #tpu.memory_space<hbm>> -> memref<640xf32, #tpu.memory_space<hbm>>
      %dma_wait3A_65 = arith.constant 0 : i32
      %dma_wait3A_66 = tpu.memref_slice %arg10[%dma_wait3A_65] : memref<10240xf32, #tpu.memory_space<vmem>> -> memref<640xf32, #tpu.memory_space<vmem>>
      tpu.wait_dma2 semaphore(%run_scoped3A : memref<!tpu.dma_semaphore, #tpu.memory_space<semaphore_mem>>) src(%dma_wait3A_66 : memref<640xf32, #tpu.memory_space<vmem>>) dst(%dma_wait3A_64 : memref<640xf32, #tpu.memory_space<hbm>>)
      tpu.yield
    }) : () -> ()
    return
  }
}

module attributes {stable_mosaic.version = 14 : i64} {
  func.func @_xp_body(%arg0: i32, %arg1: memref<1024x128xf32, #tpu.memory_space<vmem>>, %arg2: memref<128x128xf32, #tpu.memory_space<vmem>>, %arg3: memref<1024x128xf32, #tpu.memory_space<vmem>>) attributes {dimension_semantics = [#tpu.dimension_semantics<arbitrary>], iteration_bounds = array<i64: 10>, scalar_prefetch = 0 : i64, scratch_operands = 0 : i64, tpu.core_type = #tpu.core_type<tc>, window_params = [{transform_indices = @transform_0, window_bounds = array<i64: 1024, 128>}, {pipeline_mode = #tpu.pipeline_mode<synchronous>, transform_indices = @transform_1, window_bounds = array<i64: 128, 128>}, {transform_indices = @transform_2, window_bounds = array<i64: 1024, 128>}]} {
    %get3A = arith.constant 0 : index
    %get3A_0 = arith.constant 0 : index
    %get3A_1 = vector.load %arg1[%get3A, %get3A_0] : memref<1024x128xf32, #tpu.memory_space<vmem>>, vector<1024x128xf32>
    %get3A_2 = arith.constant 0 : index
    %get3A_3 = arith.constant 0 : index
    %get3A_4 = vector.load %arg2[%get3A_2, %get3A_3] : memref<128x128xf32, #tpu.memory_space<vmem>>, vector<128x128xf32>
    %dot_general3A = arith.constant dense<0.000000e+00> : vector<1024x128xf32>
    %dot_general3A_5 = tpu.matmul %get3A_1, %get3A_4, %dot_general3A {dimension_numbers = #tpu.dot_dimension_numbers<[1], [1], [0], [0], [0, 0, 1, 0], [], []>, transpose_lhs_hint = false} : vector<1024x128xf32>, vector<128x128xf32>, vector<1024x128xf32> -> vector<1024x128xf32>
    %swap3A = arith.constant 0 : index
    %swap3A_6 = arith.constant 0 : index
    %swap3A_7 = vector.load %arg3[%swap3A, %swap3A_6] : memref<1024x128xf32, #tpu.memory_space<vmem>>, vector<1024x128xf32>
    tpu.vector_store %arg3[%swap3A, %swap3A_6], %dot_general3A_5 {strides = array<i32>} : memref<1024x128xf32, #tpu.memory_space<vmem>>, vector<1024x128xf32>,
    return
  }
  func.func @transform_0(%arg0: i32) -> (i32, i32) {
    %c0_i32 = arith.constant 0 : i32
    %c0_i32_0 = arith.constant 0 : i32
    return %arg0, %c0_i32 : i32, i32
  }
  func.func @transform_1(%arg0: i32) -> (i32, i32) {
    %c0_i32 = arith.constant 0 : i32
    %c0_i32_0 = arith.constant 0 : i32
    %c0_i32_1 = arith.constant 0 : i32
    return %c0_i32, %c0_i32_0 : i32, i32
  }
  func.func @transform_2(%arg0: i32) -> (i32, i32) {
    %c0_i32 = arith.constant 0 : i32
    %c0_i32_0 = arith.constant 0 : i32
    return %arg0, %c0_i32 : i32, i32
  }
}

module attributes {stable_mosaic.version = 14 : i64} {
  func.func @_sd_body(%arg0: i32, %arg1: memref<1024x128xf32, #tpu.memory_space<vmem>>, %arg2: memref<128x128xf32, #tpu.memory_space<vmem>>, %arg3: memref<128x2xf32, #tpu.memory_space<vmem>>, %arg4: memref<2x8x128xf32, #tpu.memory_space<vmem>>) attributes {dimension_semantics = [#tpu.dimension_semantics<arbitrary>], iteration_bounds = array<i64: 10>, scalar_prefetch = 0 : i64, scratch_operands = 0 : i64, tpu.core_type = #tpu.core_type<tc>, window_params = [{transform_indices = @transform_0, window_bounds = array<i64: 1024, 128>}, {pipeline_mode = #tpu.pipeline_mode<synchronous>, transform_indices = @transform_1, window_bounds = array<i64: 128, 128>}, {pipeline_mode = #tpu.pipeline_mode<synchronous>, transform_indices = @transform_2, window_bounds = array<i64: 128, 2>}, {transform_indices = @transform_3, window_bounds = array<i64: 2, 8, 128>}]} {
    %get3A = arith.constant 0 : index
    %get3A_0 = arith.constant 0 : index
    %get3A_1 = vector.load %arg3[%get3A, %get3A_0] : memref<128x2xf32, #tpu.memory_space<vmem>>, vector<128x2xf32>
    %get3A_2 = arith.constant 0 : index
    %get3A_3 = arith.constant 0 : index
    %get3A_4 = vector.load %arg2[%get3A_2, %get3A_3] : memref<128x128xf32, #tpu.memory_space<vmem>>, vector<128x128xf32>
    %dot_general3A = arith.constant dense<0.000000e+00> : vector<2x128xf32>
    %dot_general3A_5 = tpu.matmul %get3A_1, %get3A_4, %dot_general3A {dimension_numbers = #tpu.dot_dimension_numbers<[0], [0], [1], [1], [0, 1, 1, 1], [], []>, transpose_lhs_hint = false} : vector<128x2xf32>, vector<128x128xf32>, vector<2x128xf32> -> vector<2x128xf32>
    %get3A_6 = arith.constant 0 : index
    %get3A_7 = arith.constant 0 : index
    %get3A_8 = vector.load %arg1[%get3A_6, %get3A_7] : memref<1024x128xf32, #tpu.memory_space<vmem>>, vector<1024x128xf32>
    %dot_general3A_9 = arith.constant dense<0.000000e+00> : vector<2x1024xf32>
    %dot_general3A_10 = tpu.matmul %dot_general3A_5, %get3A_8, %dot_general3A_9 {dimension_numbers = #tpu.dot_dimension_numbers<[1], [1], [0], [0], [0, 0, 1, 0], [], []>, transpose_lhs_hint = false} : vector<2x128xf32>, vector<1024x128xf32>, vector<2x1024xf32> -> vector<2x1024xf32>
    %reshape3A = vector.shape_cast %dot_general3A_10 : vector<2x1024xf32> to vector<2x8x128xf32>
    %swap3A = arith.constant 0 : index
    %swap3A_11 = arith.constant 0 : index
    %swap3A_12 = arith.constant 0 : index
    %swap3A_13 = vector.load %arg4[%swap3A, %swap3A_11, %swap3A_12] : memref<2x8x128xf32, #tpu.memory_space<vmem>>, vector<2x8x128xf32>
    tpu.vector_store %arg4[%swap3A, %swap3A_11, %swap3A_12], %reshape3A {strides = array<i32>} : memref<2x8x128xf32, #tpu.memory_space<vmem>>, vector<2x8x128xf32>,
    return
  }
  func.func @transform_0(%arg0: i32) -> (i32, i32) {
    %c0_i32 = arith.constant 0 : i32
    %c0_i32_0 = arith.constant 0 : i32
    return %arg0, %c0_i32 : i32, i32
  }
  func.func @transform_1(%arg0: i32) -> (i32, i32) {
    %c0_i32 = arith.constant 0 : i32
    %c0_i32_0 = arith.constant 0 : i32
    %c0_i32_1 = arith.constant 0 : i32
    return %c0_i32, %c0_i32_0 : i32, i32
  }
  func.func @transform_2(%arg0: i32) -> (i32, i32) {
    %c0_i32 = arith.constant 0 : i32
    %c0_i32_0 = arith.constant 0 : i32
    %c0_i32_1 = arith.constant 0 : i32
    return %c0_i32, %c0_i32_0 : i32, i32
  }
  func.func @transform_3(%arg0: i32) -> (i32, i32, i32) {
    %c0_i32 = arith.constant 0 : i32
    %c0_i32_0 = arith.constant 0 : i32
    %c0_i32_1 = arith.constant 0 : i32
    return %c0_i32, %arg0, %c0_i32_0 : i32, i32, i32
  }
}

module attributes {stable_mosaic.version = 14 : i64} {
  func.func @_scale_body(%arg0: i32, %arg1: memref<1024x128xf32, #tpu.memory_space<vmem>>, %arg2: memref<2x8x128xf32, #tpu.memory_space<vmem>>, %arg3: memref<1x128xf32, #tpu.memory_space<vmem>>, %arg4: memref<1024x128xf32, #tpu.memory_space<vmem>>) attributes {dimension_semantics = [#tpu.dimension_semantics<arbitrary>], iteration_bounds = array<i64: 10>, scalar_prefetch = 0 : i64, scratch_operands = 0 : i64, tpu.core_type = #tpu.core_type<tc>, window_params = [{transform_indices = @transform_0, window_bounds = array<i64: 1024, 128>}, {transform_indices = @transform_1, window_bounds = array<i64: 2, 8, 128>}, {pipeline_mode = #tpu.pipeline_mode<synchronous>, transform_indices = @transform_2, window_bounds = array<i64: 1, 128>}, {transform_indices = @transform_3, window_bounds = array<i64: 1024, 128>}]} {
    %iota3A = tpu.iota {dimensions = array<i32: 0>} : vector<128x128xi32>
    %iota3A_0 = tpu.iota {dimensions = array<i32: 1>} : vector<128x128xi32>
    %eq3A = arith.cmpi eq, %iota3A, %iota3A_0 : vector<128x128xi32>
    %get3A = arith.constant 0 : index
    %get3A_1 = arith.constant 0 : index
    %get3A_2 = arith.constant 0 : index
    %get3A_3 = vector.load %arg2[%get3A, %get3A_1, %get3A_2] : memref<2x8x128xf32, #tpu.memory_space<vmem>>, vector<1x8x128xf32>
    %get3A_4 = vector.shape_cast %get3A_3 : vector<1x8x128xf32> to vector<8x128xf32>
    %get3A_5 = arith.constant 1 : index
    %get3A_6 = arith.constant 0 : index
    %get3A_7 = arith.constant 0 : index
    %get3A_8 = vector.load %arg2[%get3A_5, %get3A_6, %get3A_7] : memref<2x8x128xf32, #tpu.memory_space<vmem>>, vector<1x8x128xf32>
    %get3A_9 = vector.shape_cast %get3A_8 : vector<1x8x128xf32> to vector<8x128xf32>
    %add3A = arith.addf %get3A_4, %get3A_9 : vector<8x128xf32>
    %slice3A = vector.extract_strided_slice %add3A {offsets = [0, 0], sizes = [1, 128], strides = [1, 1]} : vector<8x128xf32> to vector<1x128xf32>
    %broadcast_in_dim3A = vector.shape_cast %slice3A : vector<1x128xf32> to vector<1x128xf32>
    %broadcast_in_dim3A_10 = vector.broadcast %broadcast_in_dim3A : vector<1x128xf32> to vector<128x128xf32>
    %jit3A = arith.constant 0.000000e+00 : f32
    %broadcast_in_dim3A_11 = vector.broadcast %jit3A : f32 to vector<128x128xf32>
    %select_n3A = arith.select %eq3A, %broadcast_in_dim3A_10, %broadcast_in_dim3A_11 : vector<128x128xi1>, vector<128x128xf32>
    %get3A_12 = arith.constant 0 : index
    %get3A_13 = arith.constant 0 : index
    %get3A_14 = vector.load %arg1[%get3A_12, %get3A_13] : memref<1024x128xf32, #tpu.memory_space<vmem>>, vector<128x128xf32>
    %dot_general3A = arith.constant dense<0.000000e+00> : vector<128x128xf32>
    %dot_general3A_15 = tpu.matmul %select_n3A, %get3A_14, %dot_general3A {dimension_numbers = #tpu.dot_dimension_numbers<[1], [0], [0], [1], [0, 0, 1, 1], [], []>, transpose_lhs_hint = false} : vector<128x128xf32>, vector<128x128xf32>, vector<128x128xf32> -> vector<128x128xf32>
    %get3A_16 = arith.constant 0 : index
    %get3A_17 = arith.constant 0 : index
    %get3A_18 = vector.load %arg3[%get3A_16, %get3A_17] : memref<1x128xf32, #tpu.memory_space<vmem>>, vector<1x128xf32>
    %add3A_19 = vector.broadcast %get3A_18 : vector<1x128xf32> to vector<128x128xf32>
    %add3A_20 = arith.addf %dot_general3A_15, %add3A_19 : vector<128x128xf32>
    %swap3A = arith.constant 0 : index
    %swap3A_21 = arith.constant 0 : index
    %swap3A_22 = vector.load %arg4[%swap3A, %swap3A_21] : memref<1024x128xf32, #tpu.memory_space<vmem>>, vector<128x128xf32>
    tpu.vector_store %arg4[%swap3A, %swap3A_21], %add3A_20 {strides = array<i32>} : memref<1024x128xf32, #tpu.memory_space<vmem>>, vector<128x128xf32>,
    %slice3A_23 = vector.extract_strided_slice %add3A {offsets = [1, 0], sizes = [1, 128], strides = [1, 1]} : vector<8x128xf32> to vector<1x128xf32>
    %broadcast_in_dim3A_24 = vector.shape_cast %slice3A_23 : vector<1x128xf32> to vector<1x128xf32>
    %broadcast_in_dim3A_25 = vector.broadcast %broadcast_in_dim3A_24 : vector<1x128xf32> to vector<128x128xf32>
    %jit3A_26 = arith.constant 0.000000e+00 : f32
    %broadcast_in_dim3A_27 = vector.broadcast %jit3A_26 : f32 to vector<128x128xf32>
    %select_n3A_28 = arith.select %eq3A, %broadcast_in_dim3A_25, %broadcast_in_dim3A_27 : vector<128x128xi1>, vector<128x128xf32>
    %get3A_29 = arith.constant 128 : index
    %get3A_30 = arith.constant 0 : index
    %get3A_31 = vector.load %arg1[%get3A_29, %get3A_30] : memref<1024x128xf32, #tpu.memory_space<vmem>>, vector<128x128xf32>
    %dot_general3A_32 = arith.constant dense<0.000000e+00> : vector<128x128xf32>
    %dot_general3A_33 = tpu.matmul %select_n3A_28, %get3A_31, %dot_general3A_32 {dimension_numbers = #tpu.dot_dimension_numbers<[1], [0], [0], [1], [0, 0, 1, 1], [], []>, transpose_lhs_hint = false} : vector<128x128xf32>, vector<128x128xf32>, vector<128x128xf32> -> vector<128x128xf32>
    %get3A_34 = arith.constant 0 : index
    %get3A_35 = arith.constant 0 : index
    %get3A_36 = vector.load %arg3[%get3A_34, %get3A_35] : memref<1x128xf32, #tpu.memory_space<vmem>>, vector<1x128xf32>
    %add3A_37 = vector.broadcast %get3A_36 : vector<1x128xf32> to vector<128x128xf32>
    %add3A_38 = arith.addf %dot_general3A_33, %add3A_37 : vector<128x128xf32>
    %swap3A_39 = arith.constant 128 : index
    %swap3A_40 = arith.constant 0 : index
    %swap3A_41 = vector.load %arg4[%swap3A_39, %swap3A_40] : memref<1024x128xf32, #tpu.memory_space<vmem>>, vector<128x128xf32>
    tpu.vector_store %arg4[%swap3A_39, %swap3A_40], %add3A_38 {strides = array<i32>} : memref<1024x128xf32, #tpu.memory_space<vmem>>, vector<128x128xf32>,
    %slice3A_42 = vector.extract_strided_slice %add3A {offsets = [2, 0], sizes = [1, 128], strides = [1, 1]} : vector<8x128xf32> to vector<1x128xf32>
    %broadcast_in_dim3A_43 = vector.shape_cast %slice3A_42 : vector<1x128xf32> to vector<1x128xf32>
    %broadcast_in_dim3A_44 = vector.broadcast %broadcast_in_dim3A_43 : vector<1x128xf32> to vector<128x128xf32>
    %jit3A_45 = arith.constant 0.000000e+00 : f32
    %broadcast_in_dim3A_46 = vector.broadcast %jit3A_45 : f32 to vector<128x128xf32>
    %select_n3A_47 = arith.select %eq3A, %broadcast_in_dim3A_44, %broadcast_in_dim3A_46 : vector<128x128xi1>, vector<128x128xf32>
    %get3A_48 = arith.constant 256 : index
    %get3A_49 = arith.constant 0 : index
    %get3A_50 = vector.load %arg1[%get3A_48, %get3A_49] : memref<1024x128xf32, #tpu.memory_space<vmem>>, vector<128x128xf32>
    %dot_general3A_51 = arith.constant dense<0.000000e+00> : vector<128x128xf32>
    %dot_general3A_52 = tpu.matmul %select_n3A_47, %get3A_50, %dot_general3A_51 {dimension_numbers = #tpu.dot_dimension_numbers<[1], [0], [0], [1], [0, 0, 1, 1], [], []>, transpose_lhs_hint = false} : vector<128x128xf32>, vector<128x128xf32>, vector<128x128xf32> -> vector<128x128xf32>
    %get3A_53 = arith.constant 0 : index
    %get3A_54 = arith.constant 0 : index
    %get3A_55 = vector.load %arg3[%get3A_53, %get3A_54] : memref<1x128xf32, #tpu.memory_space<vmem>>, vector<1x128xf32>
    %add3A_56 = vector.broadcast %get3A_55 : vector<1x128xf32> to vector<128x128xf32>
    %add3A_57 = arith.addf %dot_general3A_52, %add3A_56 : vector<128x128xf32>
    %swap3A_58 = arith.constant 256 : index
    %swap3A_59 = arith.constant 0 : index
    %swap3A_60 = vector.load %arg4[%swap3A_58, %swap3A_59] : memref<1024x128xf32, #tpu.memory_space<vmem>>, vector<128x128xf32>
    tpu.vector_store %arg4[%swap3A_58, %swap3A_59], %add3A_57 {strides = array<i32>} : memref<1024x128xf32, #tpu.memory_space<vmem>>, vector<128x128xf32>,
    %slice3A_61 = vector.extract_strided_slice %add3A {offsets = [3, 0], sizes = [1, 128], strides = [1, 1]} : vector<8x128xf32> to vector<1x128xf32>
    %broadcast_in_dim3A_62 = vector.shape_cast %slice3A_61 : vector<1x128xf32> to vector<1x128xf32>
    %broadcast_in_dim3A_63 = vector.broadcast %broadcast_in_dim3A_62 : vector<1x128xf32> to vector<128x128xf32>
    %jit3A_64 = arith.constant 0.000000e+00 : f32
    %broadcast_in_dim3A_65 = vector.broadcast %jit3A_64 : f32 to vector<128x128xf32>
    %select_n3A_66 = arith.select %eq3A, %broadcast_in_dim3A_63, %broadcast_in_dim3A_65 : vector<128x128xi1>, vector<128x128xf32>
    %get3A_67 = arith.constant 384 : index
    %get3A_68 = arith.constant 0 : index
    %get3A_69 = vector.load %arg1[%get3A_67, %get3A_68] : memref<1024x128xf32, #tpu.memory_space<vmem>>, vector<128x128xf32>
    %dot_general3A_70 = arith.constant dense<0.000000e+00> : vector<128x128xf32>
    %dot_general3A_71 = tpu.matmul %select_n3A_66, %get3A_69, %dot_general3A_70 {dimension_numbers = #tpu.dot_dimension_numbers<[1], [0], [0], [1], [0, 0, 1, 1], [], []>, transpose_lhs_hint = false} : vector<128x128xf32>, vector<128x128xf32>, vector<128x128xf32> -> vector<128x128xf32>
    %get3A_72 = arith.constant 0 : index
    %get3A_73 = arith.constant 0 : index
    %get3A_74 = vector.load %arg3[%get3A_72, %get3A_73] : memref<1x128xf32, #tpu.memory_space<vmem>>, vector<1x128xf32>
    %add3A_75 = vector.broadcast %get3A_74 : vector<1x128xf32> to vector<128x128xf32>
    %add3A_76 = arith.addf %dot_general3A_71, %add3A_75 : vector<128x128xf32>
    %swap3A_77 = arith.constant 384 : index
    %swap3A_78 = arith.constant 0 : index
    %swap3A_79 = vector.load %arg4[%swap3A_77, %swap3A_78] : memref<1024x128xf32, #tpu.memory_space<vmem>>, vector<128x128xf32>
    tpu.vector_store %arg4[%swap3A_77, %swap3A_78], %add3A_76 {strides = array<i32>} : memref<1024x128xf32, #tpu.memory_space<vmem>>, vector<128x128xf32>,
    %slice3A_80 = vector.extract_strided_slice %add3A {offsets = [4, 0], sizes = [1, 128], strides = [1, 1]} : vector<8x128xf32> to vector<1x128xf32>
    %broadcast_in_dim3A_81 = vector.shape_cast %slice3A_80 : vector<1x128xf32> to vector<1x128xf32>
    %broadcast_in_dim3A_82 = vector.broadcast %broadcast_in_dim3A_81 : vector<1x128xf32> to vector<128x128xf32>
    %jit3A_83 = arith.constant 0.000000e+00 : f32
    %broadcast_in_dim3A_84 = vector.broadcast %jit3A_83 : f32 to vector<128x128xf32>
    %select_n3A_85 = arith.select %eq3A, %broadcast_in_dim3A_82, %broadcast_in_dim3A_84 : vector<128x128xi1>, vector<128x128xf32>
    %get3A_86 = arith.constant 512 : index
    %get3A_87 = arith.constant 0 : index
    %get3A_88 = vector.load %arg1[%get3A_86, %get3A_87] : memref<1024x128xf32, #tpu.memory_space<vmem>>, vector<128x128xf32>
    %dot_general3A_89 = arith.constant dense<0.000000e+00> : vector<128x128xf32>
    %dot_general3A_90 = tpu.matmul %select_n3A_85, %get3A_88, %dot_general3A_89 {dimension_numbers = #tpu.dot_dimension_numbers<[1], [0], [0], [1], [0, 0, 1, 1], [], []>, transpose_lhs_hint = false} : vector<128x128xf32>, vector<128x128xf32>, vector<128x128xf32> -> vector<128x128xf32>
    %get3A_91 = arith.constant 0 : index
    %get3A_92 = arith.constant 0 : index
    %get3A_93 = vector.load %arg3[%get3A_91, %get3A_92] : memref<1x128xf32, #tpu.memory_space<vmem>>, vector<1x128xf32>
    %add3A_94 = vector.broadcast %get3A_93 : vector<1x128xf32> to vector<128x128xf32>
    %add3A_95 = arith.addf %dot_general3A_90, %add3A_94 : vector<128x128xf32>
    %swap3A_96 = arith.constant 512 : index
    %swap3A_97 = arith.constant 0 : index
    %swap3A_98 = vector.load %arg4[%swap3A_96, %swap3A_97] : memref<1024x128xf32, #tpu.memory_space<vmem>>, vector<128x128xf32>
    tpu.vector_store %arg4[%swap3A_96, %swap3A_97], %add3A_95 {strides = array<i32>} : memref<1024x128xf32, #tpu.memory_space<vmem>>, vector<128x128xf32>,
    %slice3A_99 = vector.extract_strided_slice %add3A {offsets = [5, 0], sizes = [1, 128], strides = [1, 1]} : vector<8x128xf32> to vector<1x128xf32>
    %broadcast_in_dim3A_100 = vector.shape_cast %slice3A_99 : vector<1x128xf32> to vector<1x128xf32>
    %broadcast_in_dim3A_101 = vector.broadcast %broadcast_in_dim3A_100 : vector<1x128xf32> to vector<128x128xf32>
    %jit3A_102 = arith.constant 0.000000e+00 : f32
    %broadcast_in_dim3A_103 = vector.broadcast %jit3A_102 : f32 to vector<128x128xf32>
    %select_n3A_104 = arith.select %eq3A, %broadcast_in_dim3A_101, %broadcast_in_dim3A_103 : vector<128x128xi1>, vector<128x128xf32>
    %get3A_105 = arith.constant 640 : index
    %get3A_106 = arith.constant 0 : index
    %get3A_107 = vector.load %arg1[%get3A_105, %get3A_106] : memref<1024x128xf32, #tpu.memory_space<vmem>>, vector<128x128xf32>
    %dot_general3A_108 = arith.constant dense<0.000000e+00> : vector<128x128xf32>
    %dot_general3A_109 = tpu.matmul %select_n3A_104, %get3A_107, %dot_general3A_108 {dimension_numbers = #tpu.dot_dimension_numbers<[1], [0], [0], [1], [0, 0, 1, 1], [], []>, transpose_lhs_hint = false} : vector<128x128xf32>, vector<128x128xf32>, vector<128x128xf32> -> vector<128x128xf32>
    %get3A_110 = arith.constant 0 : index
    %get3A_111 = arith.constant 0 : index
    %get3A_112 = vector.load %arg3[%get3A_110, %get3A_111] : memref<1x128xf32, #tpu.memory_space<vmem>>, vector<1x128xf32>
    %add3A_113 = vector.broadcast %get3A_112 : vector<1x128xf32> to vector<128x128xf32>
    %add3A_114 = arith.addf %dot_general3A_109, %add3A_113 : vector<128x128xf32>
    %swap3A_115 = arith.constant 640 : index
    %swap3A_116 = arith.constant 0 : index
    %swap3A_117 = vector.load %arg4[%swap3A_115, %swap3A_116] : memref<1024x128xf32, #tpu.memory_space<vmem>>, vector<128x128xf32>
    tpu.vector_store %arg4[%swap3A_115, %swap3A_116], %add3A_114 {strides = array<i32>} : memref<1024x128xf32, #tpu.memory_space<vmem>>, vector<128x128xf32>,
    %slice3A_118 = vector.extract_strided_slice %add3A {offsets = [6, 0], sizes = [1, 128], strides = [1, 1]} : vector<8x128xf32> to vector<1x128xf32>
    %broadcast_in_dim3A_119 = vector.shape_cast %slice3A_118 : vector<1x128xf32> to vector<1x128xf32>
    %broadcast_in_dim3A_120 = vector.broadcast %broadcast_in_dim3A_119 : vector<1x128xf32> to vector<128x128xf32>
    %jit3A_121 = arith.constant 0.000000e+00 : f32
    %broadcast_in_dim3A_122 = vector.broadcast %jit3A_121 : f32 to vector<128x128xf32>
    %select_n3A_123 = arith.select %eq3A, %broadcast_in_dim3A_120, %broadcast_in_dim3A_122 : vector<128x128xi1>, vector<128x128xf32>
    %get3A_124 = arith.constant 768 : index
    %get3A_125 = arith.constant 0 : index
    %get3A_126 = vector.load %arg1[%get3A_124, %get3A_125] : memref<1024x128xf32, #tpu.memory_space<vmem>>, vector<128x128xf32>
    %dot_general3A_127 = arith.constant dense<0.000000e+00> : vector<128x128xf32>
    %dot_general3A_128 = tpu.matmul %select_n3A_123, %get3A_126, %dot_general3A_127 {dimension_numbers = #tpu.dot_dimension_numbers<[1], [0], [0], [1], [0, 0, 1, 1], [], []>, transpose_lhs_hint = false} : vector<128x128xf32>, vector<128x128xf32>, vector<128x128xf32> -> vector<128x128xf32>
    %get3A_129 = arith.constant 0 : index
    %get3A_130 = arith.constant 0 : index
    %get3A_131 = vector.load %arg3[%get3A_129, %get3A_130] : memref<1x128xf32, #tpu.memory_space<vmem>>, vector<1x128xf32>
    %add3A_132 = vector.broadcast %get3A_131 : vector<1x128xf32> to vector<128x128xf32>
    %add3A_133 = arith.addf %dot_general3A_128, %add3A_132 : vector<128x128xf32>
    %swap3A_134 = arith.constant 768 : index
    %swap3A_135 = arith.constant 0 : index
    %swap3A_136 = vector.load %arg4[%swap3A_134, %swap3A_135] : memref<1024x128xf32, #tpu.memory_space<vmem>>, vector<128x128xf32>
    tpu.vector_store %arg4[%swap3A_134, %swap3A_135], %add3A_133 {strides = array<i32>} : memref<1024x128xf32, #tpu.memory_space<vmem>>, vector<128x128xf32>,
    %slice3A_137 = vector.extract_strided_slice %add3A {offsets = [7, 0], sizes = [1, 128], strides = [1, 1]} : vector<8x128xf32> to vector<1x128xf32>
    %broadcast_in_dim3A_138 = vector.shape_cast %slice3A_137 : vector<1x128xf32> to vector<1x128xf32>
    %broadcast_in_dim3A_139 = vector.broadcast %broadcast_in_dim3A_138 : vector<1x128xf32> to vector<128x128xf32>
    %jit3A_140 = arith.constant 0.000000e+00 : f32
    %broadcast_in_dim3A_141 = vector.broadcast %jit3A_140 : f32 to vector<128x128xf32>
    %select_n3A_142 = arith.select %eq3A, %broadcast_in_dim3A_139, %broadcast_in_dim3A_141 : vector<128x128xi1>, vector<128x128xf32>
    %get3A_143 = arith.constant 896 : index
    %get3A_144 = arith.constant 0 : index
    %get3A_145 = vector.load %arg1[%get3A_143, %get3A_144] : memref<1024x128xf32, #tpu.memory_space<vmem>>, vector<128x128xf32>
    %dot_general3A_146 = arith.constant dense<0.000000e+00> : vector<128x128xf32>
    %dot_general3A_147 = tpu.matmul %select_n3A_142, %get3A_145, %dot_general3A_146 {dimension_numbers = #tpu.dot_dimension_numbers<[1], [0], [0], [1], [0, 0, 1, 1], [], []>, transpose_lhs_hint = false} : vector<128x128xf32>, vector<128x128xf32>, vector<128x128xf32> -> vector<128x128xf32>
    %get3A_148 = arith.constant 0 : index
    %get3A_149 = arith.constant 0 : index
    %get3A_150 = vector.load %arg3[%get3A_148, %get3A_149] : memref<1x128xf32, #tpu.memory_space<vmem>>, vector<1x128xf32>
    %add3A_151 = vector.broadcast %get3A_150 : vector<1x128xf32> to vector<128x128xf32>
    %add3A_152 = arith.addf %dot_general3A_147, %add3A_151 : vector<128x128xf32>
    %swap3A_153 = arith.constant 896 : index
    %swap3A_154 = arith.constant 0 : index
    %swap3A_155 = vector.load %arg4[%swap3A_153, %swap3A_154] : memref<1024x128xf32, #tpu.memory_space<vmem>>, vector<128x128xf32>
    tpu.vector_store %arg4[%swap3A_153, %swap3A_154], %add3A_152 {strides = array<i32>} : memref<1024x128xf32, #tpu.memory_space<vmem>>, vector<128x128xf32>,
    return
  }
  func.func @transform_0(%arg0: i32) -> (i32, i32) {
    %c0_i32 = arith.constant 0 : i32
    %c0_i32_0 = arith.constant 0 : i32
    return %arg0, %c0_i32 : i32, i32
  }
  func.func @transform_1(%arg0: i32) -> (i32, i32, i32) {
    %c0_i32 = arith.constant 0 : i32
    %c0_i32_0 = arith.constant 0 : i32
    %c0_i32_1 = arith.constant 0 : i32
    return %c0_i32, %arg0, %c0_i32_0 : i32, i32, i32
  }
  func.func @transform_2(%arg0: i32) -> (i32, i32) {
    %c0_i32 = arith.constant 0 : i32
    %c0_i32_0 = arith.constant 0 : i32
    %c0_i32_1 = arith.constant 0 : i32
    return %c0_i32, %c0_i32_0 : i32, i32
  }
  func.func @transform_3(%arg0: i32) -> (i32, i32) {
    %c0_i32 = arith.constant 0 : i32
    %c0_i32_0 = arith.constant 0 : i32
    return %arg0, %c0_i32 : i32, i32
  }
}

</mosaic_0001>

<sc_bundles>
// kernel: kernel.6.cloned.1.call-start
scs
__scs_entry_jumppad:
0x0: {  	(pc) =	sbr.rel $0x88, $3  }
0x1: {  	(tag) =	ssettag $0x0;
	lr =	simm.s32 $0x1  }
0x2: {  	[smem:$0x3F9C] =	sst lr;
	_ =	strace $0xD0000000  }
0x3: {  	_ = 	snop  }
0x4: {  	_ = 	snop  }
0x5: {  	_ = 	snop  }
0x6: {  	_ = 	snop  }
0x7: {  	_ = 	snop  }
__scs_overlays_trampoline_lowered:
0x8: {  	[smem:$0x3FAB] =	sst s0  }
0x9: {  	[smem:$0x3FAC] =	sst s1  }
0xa: {  	[smem:$0x3FAD] =	sst s2  }
0xb: {  	[smem:$0x3FAE] =	sst s3  }
0xc: {  	[smem:$0x3FAF] =	sst s4  }
0xd: {  	[smem:$0x3FB0] =	sst s5  }
0xe: {  	[smem:$0x3FB1] =	sst s6  }
0xf: {  	[smem:$0x3FB2] =	sst s7  }
0x10: {  	[smem:$0x3FB3] =	sst s8  }
0x11: {  	[smem:$0x3FB4] =	sst s9;
	s0 =	simm.s32 @!p0 $0x0  }
0x12: {  	s1 =	sld [smem:$0x3F9A];
	s0 =	simm.s32 @p0 $0x1  }
0x13: {  	[smem:$0x3FB5] =	sst s0;
	s0 =	simm.s32 @!p1 $0x0  }
0x14: {  	s2 =	sld [smem:$0x3F99];
	s0 =	simm.s32 @p1 $0x1  }
0x15: {  	[smem:$0x3FB6] =	sst s0;
	s0 =	simm.s32 @!p2 $0x0  }
0x16: {  	s3 =	sld [smem:$0x3FDB];
	s0 =	simm.s32 @p2 $0x1  }
0x17: {  	s4 =	simm.s32 $0x1BF5;
	[smem:$0x3FB8] =	sst s0  }
0x18: {  	s0 =	sld [smem:$0x3F9B];
	_ =	swait.ge [sflag:s4], $0x0  }
0x19: {  	s7 =	sld [smem:$0x3F9C]  }
0x1a: {  	s8 =	sadd.s32 $0xFFFFE003, lr  }
0x1b: {  	s9 =	sadd.s32 $0xFFFFFEF7, lr;
	s5 =	simm.s32 $0xFFFFFFFF;
	p2 =	slt.u32 s8, $0xFFFFF086  }
0x1c: {  	p1 =	slt.u32 s9, $0xF7A;
	s5 =	simm.s32 @!p2 $0x0  }
0x1d: {  	s5 =	simm.s32 @p1 $0x1;
	p0 =	seq.s32 s7, s2  }
0x1e: {  	s7 =	smul.u32 @!p0 $0xF7A, s2;
	p2 =	seq.s32 @!p0 s5, $0x0  }
0x1f: {  	s9 =	smul.u32 $0xF7A, s1;
	s8 =	simm.s32 @!p0 $0x1BF5;
	p2 =	por !p2, p0  }
0x20: {  	[sflag:s8] =	ssyncset.s32 @!p0 $0xFFFFF086;
	s6 =	sadd.s32 @!p0 s3, s7;
	s7 =	simm.s32 @!p0 $0x108  }
0x21: {  	s3 =	sadd.s32 s3, s9;
	s6 =	sadd.s32 @!p0 $0x88, s6;
	s7 =	simm.s32 @p2 $0x1082  }
0x22: {  	[simem:s7], [sflag:s8] =	dma.local @!p0 [hbm:s6], $0xF7A  }
0x23: {  	s9 =	sor.u32 $0xD0000000, s2;
	s6 =	simm.s32 $0x108;
	_ =	swait.ge @!p0 [sflag:s8], $0x0  }
0x24: {  	s3 =	sadd.s32 $0x88, s3;
	s6 =	simm.s32 @!p1 $0x1082;
	[sflag:s4] =	ssyncset.s32 $0xFFFFF086  }
0x25: {  	[simem:s6], [sflag:s4] =	dma.local [hbm:s3], $0xF7A  }
0x26: {  	[smem:$0x3F9C] =	sst s1;
	(tag) =	ssettag s2;
	_ =	strace s9  }
0x27: {  	s1 =	sld [smem:$0x3FAC]  }
0x28: {  	s2 =	sld [smem:$0x3FAD]  }
0x29: {  	s4 =	sld [smem:$0x3FAF]  }
0x2a: {  	p0 =	seq.s32 s5, $0x0;
	s5 =	sld [smem:$0x3FB0]  }
0x2b: {  	s6 =	sld [smem:$0x3FB1]  }
0x2c: {  	s7 =	sld [smem:$0x3FB2]  }
0x2d: {  	s3 =	simm.s32 $0x108;
	s8 =	sld [smem:$0x3FB3]  }
0x2e: {  	s3 =	simm.s32 @!p0 $0x1082;
	s9 =	sld [smem:$0x3FB4]  }
0x2f: {  	lr =	sadd.s32 s0, s3;
	s0 =	sld [smem:$0x3FAB]  }
0x30: {  	s3 =	sld [smem:$0x3FAE]  }
0x31: {  	[smem:$0x3FB7] =	sst s10  }
0x32: {  	s10 =	sld [smem:$0x3FB5];
	_ =	sdelay $0x3  }
0x33: {  	p0 =	seq.s32 s10, $0x1;
	s10 =	sld [smem:$0x3FB7];
	_ =	sdelay $0x3  }
0x34: {  	[smem:$0x3FB7] =	sst s10  }
0x35: {  	s10 =	sld [smem:$0x3FB6];
	_ =	sdelay $0x3  }
0x36: {  	p1 =	seq.s32 s10, $0x1;
	s10 =	sld [smem:$0x3FB7];
	_ =	sdelay $0x3  }
0x37: {  	[smem:$0x3FB7] =	sst s10  }
0x38: {  	s10 =	sld [smem:$0x3FB8]  }
0x39: {  	_ = 	snop;
	(pc) =	sbr.ind lr, $3  }
0x3a: {  	_ = 	snop  }
0x3b: {  	_ = 	snop  }
0x3c: {  	p2 =	seq.s32 s10, $0x1;
	s10 =	sld [smem:$0x3FB7]  }
0x3d: {  	_ =	shalt  }
0x3e: {  	_ =	shalt  }
0x3f: {  	_ =	shalt  }
0x40: {  	_ =	shalt  }
0x41: {  	_ =	shalt  }
0x42: {  	_ =	shalt  }
0x43: {  	_ =	shalt  }
0x44: {  	_ =	shalt  }
0x45: {  	_ =	shalt  }
0x46: {  	_ =	shalt  }
0x47: {  	_ =	shalt  }
0x48: {  	_ =	shalt  }
0x49: {  	_ =	shalt  }
0x4a: {  	_ =	shalt  }
0x4b: {  	_ =	shalt  }
0x4c: {  	_ =	shalt  }
0x4d: {  	_ =	shalt  }
0x4e: {  	_ =	shalt  }
0x4f: {  	_ =	shalt  }
0x50: {  	_ =	shalt  }
0x51: {  	_ =	shalt  }
0x52: {  	_ =	shalt  }
0x53: {  	_ =	shalt  }
0x54: {  	_ =	shalt  }
0x55: {  	_ =	shalt  }
0x56: {  	_ =	shalt  }
0x57: {  	_ =	shalt  }
0x58: {  	_ =	shalt  }
0x59: {  	_ =	shalt  }
0x5a: {  	_ =	shalt  }
0x5b: {  	_ =	shalt  }
0x5c: {  	_ =	shalt  }
0x5d: {  	_ =	shalt  }
0x5e: {  	_ =	shalt  }
0x5f: {  	_ =	shalt  }
0x60: {  	_ =	shalt  }
0x61: {  	_ =	shalt  }
0x62: {  	_ =	shalt  }
0x63: {  	_ =	shalt  }
0x64: {  	_ =	shalt  }
0x65: {  	_ =	shalt  }
0x66: {  	_ =	shalt  }
0x67: {  	_ =	shalt  }
0x68: {  	_ =	shalt  }
0x69: {  	_ =	shalt  }
0x6a: {  	_ =	shalt  }
0x6b: {  	_ =	shalt  }
0x6c: {  	_ =	shalt  }
0x6d: {  	_ =	shalt  }
0x6e: {  	_ =	shalt  }
0x6f: {  	_ =	shalt  }
0x70: {  	_ =	shalt  }
0x71: {  	_ =	shalt  }
0x72: {  	_ =	shalt  }
0x73: {  	_ =	shalt  }
0x74: {  	_ =	shalt  }
0x75: {  	_ =	shalt  }
0x76: {  	_ =	shalt  }
0x77: {  	_ =	shalt  }
0x78: {  	_ =	shalt  }
0x79: {  	_ =	shalt  }
0x7a: {  	_ =	shalt  }
0x7b: {  	_ =	shalt  }
0x7c: {  	_ =	shalt  }
0x7d: {  	_ =	shalt  }
0x7e: {  	_ =	shalt  }
0x7f: {  	_ =	shalt  }
0x80: {  	_ =	shalt  }
0x81: {  	_ =	shalt  }
0x82: {  	_ =	shalt  }
0x83: {  	_ =	shalt  }
0x84: {  	_ =	shalt  }
0x85: {  	_ =	shalt  }
0x86: {  	_ =	shalt  }
0x87: {  	_ =	shalt  }
.Lfunc_end0:
.L_simem_size_0:
called_computation_lowered:
.L_overlay_start_0:
0x88: {  	s2 =	sld [smem:$0x3FD9]  }
0x89: {  	s3 =	sld [smem:$0x3FFE];
	_ =	sdelay $0x1  }
0x8a: {  	s1 =	srdreg.scid  }
0x8b: {  	s0 =	sand.u32 $0x1, s1  }
0x8c: {  	s17 =	sshll.u32 s0, $0xA;
	s2 =	sadd.s32 s3, s2  }
0x8d: {  	s2 =	sadd.s32 s2, s17  }
0x8e: {  	[smem:$0x3FC3] =	sst s2  }
0x8f: {  	_ = 	snop  }
0x90: {  	s2 =	sld [smem:$0x3FD0];
	(tm) =	ssettm $0x1  }
0x91: {  	s18 =	sld [smem:$0x3FFB];
	_ =	sdelay $0x3  }
0x92: {  	_ =	strace s18  }
0x93: {  	s3 =	sld [smem:$0x3FFC];
	_ =	sdelay $0x3  }
0x94: {  	_ =	strace s3  }
0x95: {  	s3 =	sld [smem:$0x3FFD];
	_ =	sdelay $0x3  }
0x96: {  	_ =	strace s3  }
0x97: {  	_ =	strace $0x8FFFFFFF  }
0x98: {  	s19 =	sld [smem:$0x3FDB];
	_ =	sdelay $0x1  }
0x99: {  	s4 =	simm.s32 $_scs_section_size  }
0x9a: {  	s5 =	simm.s32 $_size__tile_overlayer_lowered;
	s6 =	simm.s32 $_tile_overlayer_lowered  }
0x9b: {  	s22 =	simm.s32 $0x1BFF;
	s21 =	sshll.u32 s6, $0x1;
	s3 =	sadd.s32 s4, s19  }
0x9c: {  	s7 =	simm.s32 $0x0;
	s20 =	sshll.u32 s5, $0x1;
	s5 =	sadd.s32 s21, s3  }
0x9d: {  	[timem:s7], [sflag:s22] =	dma.local [hbm:s5], s20  }
0x9e: {  	_ =	swait.ge [sflag:s22], s20  }
0x9f: {  	s4 =	ssub.s32 $0x0, s20;
	[sflag:s22] =	ssyncset.done $0x0  }
0xa0: {  	[sflag:s22] =	ssyncadd.s32 s4;
	_ =	sdelay $0x1  }
0xa1: {  	s23 =	simm.s32 $0x1B8B  }
0xa2: {  	_ =	swait.ge [sflag:s23], $0x1  }
0xa3: {  	[sflag:s23] =	ssyncset.done $0x0  }
0xa4: {  	s25 =	simm.s32 $0x1B8E;
	s24 =	sld [smem:$0x3FFE];
	[sflag:s23] =	ssyncadd.s32 $0xFFFFFFFF  }
0xa5: {  	s26 =	simm.s32 $execute0_lowered;
	[smem:$0x3FD2] =	sst s25  }
0xa6: {  	s5 =	sshll.u32 s26, $0x1;
	_ =	strace $0x80000046;
	[dreg:$0x1] =	wrdreg $0xFFFFFFFF  }
0xa7: {  	s28 =	simm.s32 $_size_execute0_lowered;
	s3 =	sadd.s32 s3, s5;
	[dreg:$0x0] =	wrdreg $0x0  }
0xa8: {  	s5 =	sshll.u32 s28, $0x1;
	[dreg:$0x2] =	wrdreg s3  }
0xa9: {  	[dreg:$0x3] =	wrdreg s5  }
0xaa: {  	[dreg:$0x4] =	wrdreg $0xC0  }
0xab: {  	_ =	task [dreg:s7], $0x5FFFF  }
0xac: {  	[dreg:$0x1] =	wrdreg $0xFFFFFFFF  }
0xad: {  	[dreg:$0x0] =	wrdreg $0x60  }
0xae: {  	[dreg:$0x2] =	wrdreg s24  }
0xaf: {  	[dreg:$0x3] =	wrdreg s2  }
0xb0: {  	[dreg:$0x4] =	wrdreg $0x18B800  }
0xb1: {  	[dreg:$0x5] =	wrdreg $0x1B3800  }
0xb2: {  	[dreg:$0x6] =	wrdreg $0x9  }
0xb3: {  	_ =	task.clear_ibuf [dreg:s7], $0x7FFFF;
	_ =	strace $0x90000046  }
0xb4: {  	s29 =	simm.s32 $0x9;
	_ =	strace $0x80000048  }
0xb5: {  	_ =	swait.ge [sflag:s29], $0x1  }
0xb6: {  	[sflag:s29] =	ssyncadd.s32 $0xFFFFFFFF  }
0xb7: {  	_ =	strace $0x90000048  }
0xb8: {  	_ =	sfence  }
0xb9: {  	s30 =	sld [smem:$0x0];
	_ =	sdelay $0x2  }
0xba: {  	s31 =	sshll.u32 s1, $0xD;
	s1 =	sshrl.u32 s1, $0x2  }
0xbb: {  	s3 =	sand.u32 $0x4000, s31;
	s1 =	sadd.s32 s1, s30  }
0xbc: {  	s0 =	sor.u32 s3, s0;
	s1 =	sshll.u32 s1, $0x11  }
0xbd: {  	s0 =	sor.u32 s1, s0  }
0xbe: {  	s0 =	sadd.s32 $0x8F2B, s0  }
0xbf: {  	[sflag:s0] =	ssyncadd.remote.s32 $0x1  }
0xc0: {  	_ =	sfence.sel $0xFFFF  }
0xc1: {  	[dreg:$0x0] =	wrdreg $0xFFFFFFFF;
	(pc) =	sbr.abs _section_cstart, $3  }
0xc2: {  	[dreg:$0x1] =	wrdreg $0xFFFFFFFF  }
0xc3: {  	_ =	task.clear_ibuf [dreg:s7], $0x2FFFF;
	_ =	strace $0x9FFFFFFF  }
0xc4: {  	(tm) =	ssettm $0x7FFFFFFF  }
0xc5: {  	_ =	shalt  }
tec
execute0_lowered:
.L_overlay_start_1:
0x0: {  	(tag) =	ssettag $0x1  }
0x1: {  	s0 =	rddreg [dreg:$0x0]  }
0x2: {  	s1 =	rddreg [dreg:$0x1]  }
0x3: {  	s2 =	srdreg.scid;
	s10 =	stileid.u32  }
0x4: {  	s3 =	rddreg [dreg:$0x2];
	s4 =	smul.u32 $0x280, s10  }
0x5: {  	s11 =	rddreg [dreg:$0x3];
	s6 =	smul.u32 $0x4E20, s10  }
0x6: {  	s12 =	simm.s32 $0x0;
	s2 =	sand.u32 $0x1, s2;
	s16 =	smul.u32 $0x5000, s10  }
0x7: {  	[smem:$0x7FF] =	sst s12;
	s9 =	sshrl.u32 s10, $0x3;
	s5 =	smul.u32 $0x2800, s2  }
0x8: {  	s7 =	sadd.s32 $0x1000, s0;
	s17 =	sshll.u32 s10, $0x7;
	s14 =	smul.u32 $0x50000, s9  }
0x9: {  	_ =	strace $0x80000047;
	[dreg:$0x10] =	wrdreg s7;
	s18 =	smul.u32 $0x9C40, s2  }
0xa: {  	s13 =	ssub.s32 $0x2, s2;
	s19 =	smul.u32 $0x2710, s2;
	s2 =	sshll.u32 s2, $0x6  }
0xb: {  	s8 =	sshrl.u32 s13, $0x1;
	s6 =	sshrl.u32 s6, $0x3;
	s22 =	sadd.s32 s4, s11  }
0xc: {  	s5 =	sadd.s32 s4, s5;
	s7 =	ssub.s32 s13, s8;
	s6 =	sadd.s32 s1, s6  }
0xd: {  	s1 =	sshrl.u32 s14, $0x2;
	s20 =	sand.u32 $0xFE00, s18;
	[dreg:$0x16] =	wrdreg s22  }
0xe: {  	s23 =	sadd.s32 $0x2700, s19;
	s29 =	sshrl.u32 s18, $0x2;
	s8 =	simm.s32 $0x2  }
0xf: {  	s5 =	sshrl.u32 s5, $0x3;
	[dreg:$0x11] =	wrdreg s6;
	s15 =	sadd.s32 $0x9C40, s6  }
0x10: {  	s6 =	sand.u32 $0x380, s17;
	s1 =	sadd.s32 s1, s3;
	s21 =	sor.u32 s2, s20  }
0x11: {  	[dreg:$0x17] =	wrdreg s23;
	s5 =	sadd.s32 s5, s0;
	s0 =	sadd.s32 $0x1500, s0  }
0x12: {  	s25 =	smax.u32 s7, $0x1;
	[dreg:$0x12] =	wrdreg s0;
	s0 =	sshrl.u32 s16, $0x2  }
0x13: {  	s30 =	sadd.s32 $0xED40, s29;
	[dreg:$0x13] =	wrdreg s15;
	s0 =	sadd.s32 s0, s3  }
0x14: {  	s3 =	sadd.s32 $0x5040, s29;
	[dreg:$0x15] =	wrdreg s0;
	s0 =	sshrl.u32 s21, $0x2  }
0x15: {  	v4 =	vmov s3;
	s26 =	sadd.s32 $0xED00, s0;
	s28 =	sadd.s32 $0x9E80, s0;
	s0 =	sadd.s32 $0x5000, s0  }
0x16: {  	s31 =	sadd.s32 $0x9EC0, s29;
	s1 =	sadd.s32 s6, s1;
	[dreg:$0x19] =	wrdreg s25;
	v1 =	vmov s0  }
0x17: {  	v0 =	vimm.f32 $0.0e+00;
	s7 =	simm.s32 $0x13B80;
	v5 =	vmov s31;
	[dreg:$0x14] =	wrdreg s1;
	s24 =	sadd.s32 $0x1A00, s5  }
0x18: {  	s6 =	simm.s32 $0x2800;
	v6 =	vmov s30;
	s1 =	simm.s32 $0x0;
	[dreg:$0x18] =	wrdreg s24;
	v2 =	vmov s28;
	v3 =	vmov s26  }
.LBB2_1:
0x19: {  	[dreg:$0x1a] =	wrdreg s1  }
0x1a: {  	s0 =	rddreg [dreg:$0x10]  }
0x1b: {  	[tilespmem:s12], [sflag:$0x1] =	stream.linear.gather [hbm4b:s0+s12], $0x2800, $0x38;
	[tilespmem:$0x1B600] =	vst v63  }
0x1c: {  	s26 =	rddreg [dreg:$0x12]  }
0x1d: {  	[tilespmem:s6], [sflag:$0x1] =	stream.linear.gather [hbm4b:s26+s12], $0x2800, $0x38;
	[tilespmem:$0x1B600] =	vst v63  }
0x1e: {  	s28 =	rddreg [dreg:$0x11];
	s29 =	simm.s32 $0x5000  }
0x1f: {  	[tilespmem:s29], [sflag:$0x1] =	stream.linear.gather [hbm4b:s28+s12], $0x4E20, $0x38;
	[tilespmem:$0x1B600] =	vst v63  }
0x20: {  	s30 =	rddreg [dreg:$0x13];
	s31 =	simm.s32 $0x9E80;
	s0 =	simm.s32 $0x13BC0  }
0x21: {  	[tilespmem:s31], [sflag:$0x1] =	stream.linear.gather [hbm4b:s30+s12], $0x4E20, $0x38;
	[tilespmem:$0x1B600] =	vst v63  }
0x22: {  	[tilespmem:s0+$0xFFFFFFC0] =	vst v0  }
0x23: {  	[tilespmem:s0+$0x30] =	vst v0  }
0x24: {  	[tilespmem:s0+$0x20] =	vst v0  }
0x25: {  	[tilespmem:s0+$0x10] =	vst v0  }
0x26: {  	[tilespmem:s0+$0x0] =	vst v0  }
0x27: {  	[tilespmem:s0+$0xFFFFFFF0] =	vst v0  }
0x28: {  	s1 =	simm.s32 $0x0;
	[tilespmem:s0+$0xFFFFFFE0] =	vst v0  }
.LBB2_2:
0x29: {  	s1 =	sadd.s32 $0x8, s1;
	[tilespmem:s0+$0xFFFFFFD0] =	vst v0;
	s0 =	sadd.s32 $0x80, s0  }
0x2a: {  	[tilespmem:s0+$0xFFFFFFC0] =	vst v0;
	p0 =	slt.u32 s1, $0x278  }
0x2b: {  	[tilespmem:s0+$0x30] =	vst v0  }
.Ltmp0:
0x2c: {  	[tilespmem:s0+$0x20] =	vst v0;
	(pc) =	sbr.rel @p0 .LBB2_2-.Ltmp0, $4  }
0x2d: {  	[tilespmem:s0+$0x10] =	vst v0  }
0x2e: {  	[tilespmem:s0+$0x0] =	vst v0  }
0x2f: {  	[tilespmem:s0+$0xFFFFFFF0] =	vst v0  }
0x30: {  	[tilespmem:s0+$0xFFFFFFE0] =	vst v0  }
0x31: {  	[tilespmem:s0+$0xFFFFFFD0] =	vst v0;
	s30 =	simm.s32 $0x1  }
0x32: {  	_ =	swait.ge [sflag:s30], $0x2800  }
0x33: {  	[sflag:s30] =	ssyncset.done $0x0  }
0x34: {  	[sflag:s30] =	ssyncadd.s32 $0xFFFFD800  }
0x35: {  	_ =	swait.ge [sflag:s30], $0x2800  }
0x36: {  	[sflag:s30] =	ssyncset.done $0x0  }
0x37: {  	[sflag:s30] =	ssyncadd.s32 $0xFFFFD800  }
0x38: {  	_ =	swait.ge [sflag:s30], $0x4E20  }
0x39: {  	[sflag:s30] =	ssyncset.done $0x0  }
0x3a: {  	[sflag:s30] =	ssyncadd.s32 $0xFFFFB1E0  }
0x3b: {  	_ =	swait.ge [sflag:s30], $0x4E20  }
0x3c: {  	[sflag:s30] =	ssyncset.done $0x0  }
0x3d: {  	s31 =	simm.s32 $0x9EC0;
	[sflag:s30] =	ssyncadd.s32 $0xFFFFB1E0  }
0x3e: {  	s1 =	simm.s32 $0x5040;
	v15 =	vld [tilespmem:s31+$0xFFFFFFE0]  }
0x3f: {  	v7 =	vld [tilespmem:s1+$0x20]  }
0x40: {  	v16 =	vld [tilespmem:s31+$0xFFFFFFD0]  }
0x41: {  	v10 =	vld [tilespmem:s1+$0x0]  }
0x42: {  	v17 =	vld [tilespmem:s31+$0x20]  }
0x43: {  	v25 =	vld [tilespmem:s31+$0x30]  }
0x44: {  	v19 =	vld [tilespmem:s31+$0x0]  }
0x45: {  	v20 =	vld [tilespmem:s31+$0xFFFFFFC0]  }
0x46: {  	v18 =	vld [tilespmem:s31+$0xFFFFFFF0]  }
0x47: {  	v9 =	vld [tilespmem:s1+$0xFFFFFFE0]  }
0x48: {  	v14 =	vld [tilespmem:s1+$0x10]  }
0x49: {  	v21 =	vld [tilespmem:s31+$0x10]  }
0x4a: {  	v12 =	vld [tilespmem:s1+$0xFFFFFFF0]  }
0x4b: {  	v11 =	vld [tilespmem:s1+$0xFFFFFFC0]  }
0x4c: {  	v8 =	vld [tilespmem:s1+$0x30]  }
0x4d: {  	v13 =	vld [tilespmem:s1+$0xFFFFFFD0]  }
0x4e: {  	s26 =	simm.s32 $0x0;
	v24 =	vld.idx.msk [tilespmem:v18+s6+$0x0], $0xffff  }
0x4f: {  	v22 =	vld.idx.msk [tilespmem:v10+s26+$0x0], $0xffff  }
0x50: {  	v23 =	vld.idx.msk [tilespmem:v14+s26+$0x0], $0xffff  }
0x51: {  	v21 =	vld.idx.msk [tilespmem:v21+s6+$0x0], $0xffff  }
0x52: {  	v16 =	vld.idx.msk [tilespmem:v16+s6+$0x0], $0xffff  }
0x53: {  	v18 =	vld.idx.msk [tilespmem:v11+s26+$0x0], $0xffff  }
0x54: {  	v26 =	vld.idx.msk [tilespmem:v19+s6+$0x0], $0xffff  }
0x55: {  	v28 =	vld.idx.msk [tilespmem:v13+s26+$0x0], $0xffff  }
0x56: {  	v29 =	vld.idx.msk [tilespmem:v12+s26+$0x0], $0xffff;
	v30 =	vadd.f32 v21, v23  }
0x57: {  	v19 =	vld.idx.msk [tilespmem:v9+s26+$0x0], $0xffff  }
0x58: {  	v25 =	vld.idx.msk [tilespmem:v25+s6+$0x0], $0xffff;
	v31 =	vmul.f32 $2.000000030e-01, v30  }
0x59: {  	v23 =	vld.idx.msk [tilespmem:v20+s6+$0x0], $0xffff;
	vm0 =	vgt.f32 v30, $0.0e+00  }
0x5a: {  	v21 =	vld.idx.msk [tilespmem:v15+s6+$0x0], $0xffff;
	v27 =	vadd.f32 v26, v22;
	v26 =	vadd.f32 v16, v28;
	v15 =	vsel vm0, v30, v31  }
0x5b: {  	v20 =	vld.idx.msk [tilespmem:v7+s26+$0x0], $0xffff;
	v15 =	vmul.f32 $1.442695020e+00, v15  }
0x5c: {  	s0 =	simm.s32 $0xED40;
	s15 =	simm.s32 $0x0;
	v22 =	vld.idx.msk [tilespmem:v17+s6+$0x0], $0xffff;
	v17 =	vadd.f32 v24, v29;
	v28 =	vmul.f32 $2.000000030e-01, v27;
	vm1 =	vgt.f32 v26, $0.0e+00  }
0x5d: {  	s16 =	simm.s32 $0x50C0;
	s28 =	simm.s32 $0x9F40;
	s1 =	simm.s32 $0xED40;
	v24 =	vld.idx.msk [tilespmem:v8+s26+$0x0], $0xffff;
	v29 =	vmul.f32 $2.000000030e-01, v26;
	vm0 =	vgt.f32 v27, $0.0e+00;
	(erf) = vpow2.f32 v15  }
.LBB2_4:
0x5e: {  	v15 =	vld [tilespmem:s28+$0xFFFFFFE0];
	s15 =	sadd.s32 $0x8, s15;
	v18 =	vadd.f32 v23, v18;
	v16 =	vmul.f32 $2.000000030e-01, v17;
	v23 =	vsel vm0, v27, v28;
	s0 =	sadd.s32 $0x80, s0  }
0x5f: {  	vm0 =	vgt.f32 v17, $0.0e+00;
	v27 =	vld [tilespmem:s16+$0x20];
	p0 =	slt.u32 s15, $0x4D8;
	v26 =	vsel vm1, v26, v29;
	v23 =	vmul.f32 $1.442695020e+00, v23  }
0x60: {  	v28 =	vld [tilespmem:s28+$0xFFFFFFD0];
	v29 =	vmul.f32 $2.000000030e-01, v18;
	v26 =	vmul.f32 $1.442695020e+00, v26;
	v16 =	vsel vm0, v17, v16  }
0x61: {  	v19 =	vadd.f32 v21, v19;
	v30 =	vld [tilespmem:s16+$0x0];
	v21 =	vmul.f32 $1.442695020e+00, v16;
	(erf) = vpow2.f32 v23  }
0x62: {  	v20 =	vadd.f32 v22, v20;
	v17 =	vld [tilespmem:s28+$0x20];
	(erf) = vpow2.f32 v26  }
0x63: {  	v22 =	vmul.f32 $2.000000030e-01, v19;
	v23 =	vadd.f32 v25, v24;
	v16 =	vld [tilespmem:s28+$0x30];
	(erf) = vpow2.f32 v21  }
0x64: {  	vm0 =	vgt.f32 v18, $0.0e+00;
	vm1 =	vgt.f32 v19, $0.0e+00;
	v24 =	vmul.f32 $2.000000030e-01, v20;
	v21 =	vld [tilespmem:s28+$0x0]  }
0x65: {  	v19 =	vsel vm1, v19, v22;
	vm1 =	vgt.f32 v20, $0.0e+00;
	v22 =	vmul.f32 $2.000000030e-01, v23;
	v25 =	vld [tilespmem:s28+$0xFFFFFFC0]  }
0x66: {  	v18 =	vsel vm0, v18, v29;
	v19 =	vmul.f32 $1.442695020e+00, v19;
	vm0 =	vgt.f32 v23, $0.0e+00;
	v26 =	vld [tilespmem:s16+$0xFFFFFFE0];
	v29 =	vpop (erf)  }
0x67: {  	v18 =	vmul.f32 $1.442695020e+00, v18;
	v22 =	vsel vm0, v23, v22;
	v31 =	vld [tilespmem:s16+$0xFFFFFFF0];
	[tilespmem:s1+$0x10] =	vst v29;
	v29 =	vadd.f32 $-1.000000000e+00, v29  }
0x68: {  	v20 =	vsel vm1, v20, v24;
	v22 =	vmul.f32 $1.442695020e+00, v22;
	v23 =	vld [tilespmem:s28+$0xFFFFFFF0]  }
0x69: {  	v20 =	vmul.f32 $1.442695020e+00, v20;
	v24 =	vld [tilespmem:s16+$0x10];
	(erf) = vpow2.f32 v18  }
0x6a: {  	v18 =	vld [tilespmem:s28+$0x10];
	v32 =	vpop (erf);
	(erf) = vpow2.f32 v22  }
0x6b: {  	v22 =	vld [tilespmem:s16+$0x30];
	v33 =	vadd.f32 $-1.000000000e+00, v32;
	v34 =	vpop (erf);
	(erf) = vpow2.f32 v20  }
0x6c: {  	v20 =	vadd.f32 $-1.000000000e+00, v34;
	[tilespmem:v14+s7+$0x0] =	vst.idx.add.f32.msk $0xffff, v29;
	(erf) = vpow2.f32 v19;
	v14 =	vpop (erf)  }
0x6d: {  	v19 =	vld [tilespmem:s16+$0xFFFFFFC0];
	v29 =	vadd.f32 $-1.000000000e+00, v14;
	[tilespmem:s1+$0x0] =	vst v32  }
0x6e: {  	v32 =	vld [tilespmem:s16+$0xFFFFFFD0];
	[tilespmem:s1+$0xFFFFFFF0] =	vst v14;
	v14 =	vmov v24  }
0x6f: {  	[tilespmem:v12+s7+$0x0] =	vst.idx.add.f32.msk $0xffff, v29;
	v12 =	vmov v31  }
0x70: {  	v24 =	vld.idx.msk [tilespmem:v23+s6+$0x0], $0xffff;
	[tilespmem:s1+$0xFFFFFFD0] =	vst v34  }
0x71: {  	[tilespmem:v13+s7+$0x0] =	vst.idx.add.f32.msk $0xffff, v20  }
0x72: {  	v29 =	vld.idx.msk [tilespmem:v30+s26+$0x0], $0xffff;
	v13 =	vpop (erf)  }
0x73: {  	v28 =	vld.idx.msk [tilespmem:v28+s6+$0x0], $0xffff;
	[tilespmem:s1+$0xFFFFFFC0] =	vst v13;
	v34 =	vadd.f32 $-1.000000000e+00, v13;
	v23 =	vpop (erf);
	v13 =	vmov v32  }
0x74: {  	[tilespmem:v10+s7+$0x0] =	vst.idx.add.f32.msk $0xffff, v33;
	v31 =	vpop (erf);
	v10 =	vmov v30  }
0x75: {  	[tilespmem:v11+s7+$0x0] =	vst.idx.add.f32.msk $0xffff, v34;
	v20 =	vpop (erf);
	v11 =	vmov v19  }
0x76: {  	v30 =	vld.idx.msk [tilespmem:v14+s26+$0x0], $0xffff;
	v32 =	vadd.f32 $-1.000000000e+00, v20;
	[tilespmem:s1+$0x20] =	vst v31  }
0x77: {  	v33 =	vld.idx.msk [tilespmem:v18+s6+$0x0], $0xffff;
	[tilespmem:s1+$0xFFFFFFE0] =	vst v20;
	v20 =	vadd.f32 $-1.000000000e+00, v23  }
0x78: {  	v31 =	vadd.f32 $-1.000000000e+00, v31;
	[tilespmem:v9+s7+$0x0] =	vst.idx.add.f32.msk $0xffff, v32;
	v9 =	vmov v26  }
0x79: {  	v18 =	vld.idx.msk [tilespmem:v19+s26+$0x0], $0xffff;
	[tilespmem:s1+$0x30] =	vst v23;
	s1 =	smov.u32 s0  }
0x7a: {  	[tilespmem:v7+s7+$0x0] =	vst.idx.add.f32.msk $0xffff, v31;
	v7 =	vmov v27  }
0x7b: {  	[tilespmem:v8+s7+$0x0] =	vst.idx.add.f32.msk $0xffff, v20;
	v8 =	vmov v22  }
0x7c: {  	v22 =	vld.idx.msk [tilespmem:v21+s6+$0x0], $0xffff  }
0x7d: {  	v26 =	vld.idx.msk [tilespmem:v13+s26+$0x0], $0xffff  }
0x7e: {  	v30 =	vadd.f32 v33, v30;
	v31 =	vld.idx.msk [tilespmem:v12+s26+$0x0], $0xffff  }
0x7f: {  	v19 =	vld.idx.msk [tilespmem:v9+s26+$0x0], $0xffff  }
0x80: {  	v23 =	vld.idx.msk [tilespmem:v25+s6+$0x0], $0xffff;
	v25 =	vmul.f32 $2.000000030e-01, v30  }
.Ltmp1:
0x81: {  	vm0 =	vgt.f32 v30, $0.0e+00;
	v20 =	vld.idx.msk [tilespmem:v27+s26+$0x0], $0xffff;
	(pc) =	sbr.rel @p0 .LBB2_4-.Ltmp1, $4  }
0x82: {  	v27 =	vadd.f32 v22, v29;
	v21 =	vld.idx.msk [tilespmem:v15+s6+$0x0], $0xffff;
	v15 =	vsel vm0, v30, v25  }
0x83: {  	v26 =	vadd.f32 v28, v26;
	v15 =	vmul.f32 $1.442695020e+00, v15;
	v22 =	vld.idx.msk [tilespmem:v17+s6+$0x0], $0xffff  }
0x84: {  	v17 =	vadd.f32 v24, v31;
	vm0 =	vgt.f32 v27, $0.0e+00;
	v28 =	vmul.f32 $2.000000030e-01, v27;
	v24 =	vld.idx.msk [tilespmem:v8+s26+$0x0], $0xffff  }
0x85: {  	s28 =	sadd.s32 $0x80, s28;
	s16 =	sadd.s32 $0x80, s16;
	vm1 =	vgt.f32 v26, $0.0e+00;
	v29 =	vmul.f32 $2.000000030e-01, v26;
	v25 =	vld.idx.msk [tilespmem:v16+s6+$0x0], $0xffff;
	(erf) = vpow2.f32 v15  }
0x86: {  	v15 =	vsel vm0, v27, v28;
	v16 =	vmul.f32 $2.000000030e-01, v17;
	v41 =	vadd.f32 v23, v18  }
0x87: {  	vm11 =	vgt.f32 v17, $0.0e+00;
	v26 =	vsel vm1, v26, v29;
	v15 =	vmul.f32 $1.442695020e+00, v15  }
0x88: {  	v26 =	vmul.f32 $1.442695020e+00, v26;
	v16 =	vsel vm11, v17, v16;
	v44 =	vmul.f32 $2.000000030e-01, v41  }
0x89: {  	v42 =	vadd.f32 v21, v19;
	v16 =	vmul.f32 $1.442695020e+00, v16;
	(erf) = vpow2.f32 v15  }
0x8a: {  	vm12 =	vgt.f32 v41, $0.0e+00;
	(erf) = vpow2.f32 v26;
	v43 =	vadd.f32 v25, v24  }
0x8b: {  	v20 =	vadd.f32 v22, v20;
	v17 =	vsel vm12, v41, v44;
	(erf) = vpow2.f32 v16  }
0x8c: {  	v17 =	vmul.f32 $1.442695020e+00, v17;
	v46 =	vmul.f32 $2.000000030e-01, v43  }
0x8d: {  	v45 =	vmul.f32 $2.000000030e-01, v42;
	v22 =	vmul.f32 $2.000000030e-01, v20;
	vm13 =	vgt.f32 v43, $0.0e+00  }
0x8e: {  	vm14 =	vgt.f32 v20, $0.0e+00;
	(erf) = vpow2.f32 v17;
	v18 =	vsel vm13, v43, v46  }
0x8f: {  	vm15 =	vgt.f32 v42, $0.0e+00;
	v47 =	vsel vm14, v20, v22;
	v49 =	vpop (erf);
	v18 =	vmul.f32 $1.442695020e+00, v18  }
0x90: {  	v15 =	vsel vm15, v42, v45;
	v48 =	vmul.f32 $1.442695020e+00, v47;
	v50 =	vadd.f32 $-1.000000000e+00, v49  }
0x91: {  	v15 =	vmul.f32 $1.442695020e+00, v15;
	[tilespmem:s1+$0x10] =	vst v49;
	(erf) = vpow2.f32 v18  }
0x92: {  	[tilespmem:v14+s7+$0x0] =	vst.idx.add.f32.msk $0xffff, v50;
	v51 =	vpop (erf);
	(erf) = vpow2.f32 v48  }
0x93: {  	v52 =	vpop (erf);
	(erf) = vpow2.f32 v15;
	[tilespmem:s1+$0x0] =	vst v51  }
0x94: {  	v56 =	vadd.f32 $-1.000000000e+00, v51;
	v53 =	vpop (erf);
	[tilespmem:s1+$0xFFFFFFD0] =	vst v52  }
0x95: {  	v55 =	vadd.f32 $-1.000000000e+00, v52;
	[tilespmem:s1+$0xFFFFFFF0] =	vst v53  }
0x96: {  	v54 =	vadd.f32 $-1.000000000e+00, v53;
	[tilespmem:v10+s7+$0x0] =	vst.idx.add.f32.msk $0xffff, v56  }
0x97: {  	[tilespmem:v13+s7+$0x0] =	vst.idx.add.f32.msk $0xffff, v55;
	v57 =	vpop (erf)  }
0x98: {  	[tilespmem:v12+s7+$0x0] =	vst.idx.add.f32.msk $0xffff, v54;
	v13 =	vadd.f32 $-1.000000000e+00, v57  }
0x99: {  	[tilespmem:s1+$0xFFFFFFC0] =	vst v57  }
0x9a: {  	[tilespmem:v11+s7+$0x0] =	vst.idx.add.f32.msk $0xffff, v13;
	v58 =	vpop (erf)  }
0x9b: {  	v59 =	vpop (erf);
	[tilespmem:s1+$0x30] =	vst v58  }
0x9c: {  	v63 =	vadd.f32 $-1.000000000e+00, v58;
	v60 =	vpop (erf);
	[tilespmem:s1+$0x20] =	vst v59  }
0x9d: {  	v62 =	vadd.f32 $-1.000000000e+00, v59;
	[tilespmem:s1+$0xFFFFFFE0] =	vst v60  }
0x9e: {  	v61 =	vadd.f32 $-1.000000000e+00, v60;
	[tilespmem:v8+s7+$0x0] =	vst.idx.add.f32.msk $0xffff, v63  }
0x9f: {  	[tilespmem:v7+s7+$0x0] =	vst.idx.add.f32.msk $0xffff, v62  }
0xa0: {  	[tilespmem:v9+s7+$0x0] =	vst.idx.add.f32.msk $0xffff, v61  }
.LBB2_6:
0xa1: {  	s0 =	sshra.s32 s26, $0x2  }
0xa2: {  	v7 =	vld [tilespmem:s0+$0x9E00]  }
0xa3: {  	v8 =	vld [tilespmem:s0+$0xEC80];
	_ =	sdelay $0x6  }
0xa4: {  	v9 =	vld.idx.msk [tilespmem:v7+s12+$0x0], $0xffff  }
0xa5: {  	v8 =	vld.idx.msk [tilespmem:v8+s6+$0x0], $0xffff;
	_ =	sdelay $0x4  }
0xa6: {  	v8 =	vadd.f32 v8, v9;
	_ =	sdelay $0x1  }
0xa7: {  	v9 =	vmul.f32 $2.000000030e-01, v8  }
0xa8: {  	vm0 =	vgt.f32 v8, $0.0e+00  }
0xa9: {  	v8 =	vsel vm0, v8, v9  }
0xaa: {  	v8 =	vmul.f32 $1.442695020e+00, v8;
	_ =	sdelay $0x1  }
0xab: {  	(erf) = vpow2.f32 v8;
	_ =	sdelay $0x6  }
0xac: {  	p0 =	sne.s32 s26, $0x40  }
.Ltmp2:
0xad: {  	_ = 	snop;
	(pc) =	sbr.rel @p0 .LBB2_6-.Ltmp2, $4  }
0xae: {  	v8 =	vpop (erf)  }
0xaf: {  	v63 =	vadd.f32 $-1.000000000e+00, v8  }
0xb0: {  	[tilespmem:s0+$0x13B00] =	vst v8  }
0xb1: {  	s26 =	sadd.s32 $0x40, s26;
	[tilespmem:v7+s7+$0x0] =	vst.idx.add.f32.msk $0xffff, v63  }
0xb2: {  	s13 =	simm.s32 $0x13B80  }
0xb3: {  	s0 =	rddreg [dreg:$0x14];
	s1 =	simm.s32 $0x80;
	s2 =	simm.s32 $0x400  }
0xb4: {  	[spmem:s0] =	stream.strided.scatter [tilespmem:s13], [sflag:$0x2], $0x2800, s2, s1, $0x38;
	[tilespmem:$0x1B600] =	vst v63  }
0xb5: {  	_ =	swait.ge [sflag:s8], $0x2800  }
0xb6: {  	[sflag:s8] =	ssyncset.done $0x0  }
0xb7: {  	[sflag:s8] =	ssyncadd.s32 $0xFFFFD800  }
0xb8: {  	s12 =	simm.s32 $0x1400;
	s14 =	simm.s32 $0x14000;
	[bflag:$0x0] =	sbarrier.arrive $0xFFFF  }
0xb9: {  	s3 =	simm.s32 $0x16380;
	s29 =	simm.s32 $0x0;
	s11 =	rddreg [dreg:$0x15]  }
0xba: {  	[tilespmem:s3], [sflag:$0x2] =	stream.strided.gather [spmem:s11], $0x2800, s14, s12, $0x38;
	[tilespmem:$0x1B600] =	vst v63  }
0xbb: {  	s0 =	sand.u32 $0x40, s29;
	s15 =	sand.u32 $0x1C00, s29;
	_ =	swait.ge [sflag:s8], $0x2800  }
0xbc: {  	s16 =	sor.u32 $0x16380, s15;
	s28 =	sor.u32 $0x30, s0;
	[sflag:s8] =	ssyncset.done $0x0  }
0xbd: {  	s17 =	sor.u32 s28, s16;
	[sflag:s8] =	ssyncadd.s32 $0xFFFFD800  }
0xbe: {  	v8 =	vld [tilespmem:s17+$0x0]  }
0xbf: {  	s4 =	sor.u32 s0, s16;
	v9 =	vld [tilespmem:s17+$0x80]  }
0xc0: {  	v10 =	vld [tilespmem:s4+$0x0]  }
0xc1: {  	v11 =	vld [tilespmem:s17+$0x100]  }
0xc2: {  	s30 =	sor.u32 $0x10, s0;
	v12 =	vld [tilespmem:s4+$0x80]  }
0xc3: {  	s5 =	sor.u32 s30, s16;
	v13 =	vld [tilespmem:s17+$0x180]  }
0xc4: {  	v14 =	vld [tilespmem:s5+$0x0]  }
0xc5: {  	v15 =	vld [tilespmem:s17+$0x200]  }
0xc6: {  	s31 =	sor.u32 $0x20, s0;
	v16 =	vld [tilespmem:s5+$0x80]  }
0xc7: {  	s6 =	sor.u32 s31, s16;
	v17 =	vld [tilespmem:s17+$0x280]  }
0xc8: {  	v18 =	vld [tilespmem:s6+$0x0]  }
0xc9: {  	v19 =	vld [tilespmem:s17+$0x300]  }
0xca: {  	v20 =	vld [tilespmem:s6+$0x80]  }
0xcb: {  	s7 =	sadd.s32 $0x17780, s15;
	v21 =	vld [tilespmem:s17+$0x380]  }
0xcc: {  	s18 =	sor.u32 s28, s7;
	v22 =	vld [tilespmem:s4+$0x100]  }
0xcd: {  	s19 =	sadd.s32 $0x17800, s15;
	v23 =	vld [tilespmem:s18+$0x0]  }
0xce: {  	s20 =	sor.u32 s28, s19;
	v24 =	vld [tilespmem:s5+$0x100]  }
0xcf: {  	s21 =	sadd.s32 $0x17880, s15;
	v25 =	vld [tilespmem:s20+$0x0]  }
0xd0: {  	s22 =	sor.u32 s28, s21;
	v26 =	vld [tilespmem:s6+$0x100]  }
0xd1: {  	s9 =	sadd.s32 $0x17900, s15;
	v27 =	vld [tilespmem:s22+$0x0]  }
0xd2: {  	s23 =	sor.u32 s28, s9;
	v28 =	vld [tilespmem:s4+$0x180]  }
0xd3: {  	s10 =	sadd.s32 $0x17980, s15;
	v29 =	vld [tilespmem:s23+$0x0]  }
0xd4: {  	s24 =	sor.u32 s28, s10;
	v30 =	vld [tilespmem:s5+$0x180]  }
0xd5: {  	s11 =	sadd.s32 $0x17A00, s15;
	v31 =	vld [tilespmem:s24+$0x0]  }
0xd6: {  	s12 =	sor.u32 s28, s11;
	v32 =	vld [tilespmem:s6+$0x180]  }
0xd7: {  	s2 =	sadd.s32 $0x17A80, s15;
	v33 =	vld [tilespmem:s12+$0x0]  }
0xd8: {  	s25 =	sor.u32 s28, s2;
	v34 =	vld [tilespmem:s4+$0x200]  }
0xd9: {  	s1 =	sadd.s32 $0x17B00, s15;
	v35 =	vld [tilespmem:s25+$0x0]  }
0xda: {  	s26 =	sor.u32 s28, s1;
	v36 =	vld [tilespmem:s5+$0x200]  }
0xdb: {  	v37 =	vld [tilespmem:s26+$0x0]  }
0xdc: {  	v38 =	vld [tilespmem:s6+$0x200]  }
0xdd: {  	v39 =	vld [tilespmem:s4+$0x280]  }
0xde: {  	v40 =	vld [tilespmem:s5+$0x280]  }
0xdf: {  	v41 =	vld [tilespmem:s6+$0x280]  }
0xe0: {  	v42 =	vld [tilespmem:s4+$0x300]  }
0xe1: {  	v43 =	vld [tilespmem:s5+$0x300]  }
0xe2: {  	v44 =	vld [tilespmem:s6+$0x300]  }
0xe3: {  	v45 =	vld [tilespmem:s4+$0x380]  }
0xe4: {  	v46 =	vld [tilespmem:s5+$0x380]  }
0xe5: {  	s14 =	sor.u32 s31, s7;
	v47 =	vld [tilespmem:s6+$0x380]  }
0xe6: {  	s15 =	sor.u32 s0, s19;
	v50 =	vld [tilespmem:s14+$0x0]  }
0xe7: {  	s16 =	sor.u32 s30, s19;
	v51 =	vld [tilespmem:s15+$0x0]  }
0xe8: {  	s3 =	sor.u32 s31, s19;
	s19 =	sor.u32 s31, s21;
	v52 =	vld [tilespmem:s16+$0x0]  }
0xe9: {  	v7 =	vld [tilespmem:s19+$0x0]  }
0xea: {  	s5 =	sor.u32 s0, s7;
	v53 =	vld [tilespmem:s3+$0x0]  }
0xeb: {  	s12 =	sor.u32 s30, s7;
	v48 =	vld [tilespmem:s5+$0x0]  }
0xec: {  	s17 =	sor.u32 s0, s21;
	v49 =	vld [tilespmem:s12+$0x0]  }
0xed: {  	s18 =	sor.u32 s30, s21;
	v54 =	vld [tilespmem:s17+$0x0]  }
0xee: {  	s20 =	sor.u32 s0, s9;
	v55 =	vld [tilespmem:s18+$0x0];
	[tilespmem:$0x1FFF0] =	vst v7  }
0xef: {  	s21 =	sor.u32 s30, s9;
	v8 =	vadd.f32 v9, v8;
	v9 =	vld [tilespmem:s20+$0x0]  }
0xf0: {  	s23 =	sor.u32 s0, s10;
	v56 =	vld [tilespmem:s21+$0x0]  }
0xf1: {  	s25 =	sor.u32 s31, s10;
	v57 =	vld [tilespmem:s23+$0x0]  }
0xf2: {  	s8 =	sor.u32 s30, s2;
	s22 =	sor.u32 s31, s9;
	s5 =	sor.u32 s30, s11;
	v58 =	vld [tilespmem:s25+$0x0]  }
0xf3: {  	s24 =	sor.u32 s30, s10;
	s26 =	sor.u32 s0, s11;
	s7 =	sor.u32 s0, s2;
	v59 =	vld [tilespmem:s5+$0x0]  }
0xf4: {  	s6 =	sor.u32 s31, s11;
	s2 =	sor.u32 s31, s2;
	s9 =	sor.u32 s0, s1;
	v60 =	vld [tilespmem:s7+$0x0]  }
0xf5: {  	s10 =	simm.s32 $0x200;
	s0 =	simm.s32 $0x40;
	s11 =	sor.u32 s30, s1;
	v61 =	vld [tilespmem:s2+$0x0]  }
0xf6: {  	s15 =	sand.u32 $0x40, s0;
	s2 =	sand.u32 $0x1C00, s10;
	v62 =	vld [tilespmem:s11+$0x0];
	v11 =	vadd.f32 v11, v8  }
0xf7: {  	s12 =	sor.u32 s31, s1;
	s1 =	sor.u32 $0x30, s15;
	v8 =	vld [tilespmem:s22+$0x0];
	s14 =	sor.u32 $0x16380, s2  }
0xf8: {  	s16 =	sor.u32 s1, s14;
	v11 =	vadd.f32 v13, v11;
	v13 =	vld [tilespmem:s24+$0x0]  }
0xf9: {  	s17 =	sor.u32 s15, s14;
	v63 =	vld [tilespmem:s16+$0x0]  }
0xfa: {  	v7 =	vld [tilespmem:s17+$0x0]  }
0xfb: {  	v10 =	vadd.f32 v12, v10;
	v12 =	vld [tilespmem:s17+$0x80]  }
0xfc: {  	v14 =	vadd.f32 v16, v14;
	v16 =	vld [tilespmem:s16+$0x180]  }
0xfd: {  	v18 =	vadd.f32 v20, v18;
	v20 =	vld [tilespmem:s16+$0x200]  }
0xfe: {  	v10 =	vadd.f32 v22, v10;
	v22 =	vld [tilespmem:s16+$0x280]  }
0xff: {  	v14 =	vadd.f32 v24, v14;
	v24 =	vld [tilespmem:s16+$0x300]  }
0x100: {  	v18 =	vadd.f32 v26, v18;
	s10 =	sadd.s32 $0x17800, s2;
	v26 =	vld [tilespmem:s16+$0x380]  }
0x101: {  	s20 =	sor.u32 s1, s10;
	v10 =	vadd.f32 v28, v10;
	v28 =	vld [tilespmem:s17+$0x100];
	v11 =	vadd.f32 v15, v11  }
0x102: {  	v14 =	vadd.f32 v30, v14;
	v30 =	vld [tilespmem:s20+$0x0]  }
0x103: {  	v18 =	vadd.f32 v32, v18;
	v32 =	vld [tilespmem:s17+$0x180];
	v11 =	vadd.f32 v17, v11  }
0x104: {  	v15 =	vld [tilespmem:s26+$0x0];
	v10 =	vadd.f32 v34, v10;
	v14 =	vadd.f32 v36, v14  }
0x105: {  	v18 =	vadd.f32 v38, v18;
	v17 =	vld [tilespmem:s6+$0x0];
	v11 =	vadd.f32 v19, v11  }
0x106: {  	v10 =	vadd.f32 v39, v10;
	v14 =	vadd.f32 v40, v14;
	v40 =	vld [tilespmem:s17+$0x380]  }
0x107: {  	s7 =	sor.u32 $0x10, s15;
	v18 =	vadd.f32 v41, v18;
	v41 =	vld [tilespmem:$0x1FFF0];
	v11 =	vadd.f32 v21, v11  }
0x108: {  	s11 =	sor.u32 s7, s14;
	s20 =	sor.u32 $0x20, s15;
	v19 =	vld [tilespmem:s8+$0x0]  }
0x109: {  	s3 =	sor.u32 s20, s14;
	v10 =	vadd.f32 v42, v10;
	v42 =	vld [tilespmem:s11+$0x80];
	v11 =	vadd.f32 v23, v11  }
0x10a: {  	v7 =	vadd.f32 v12, v7;
	v14 =	vadd.f32 v43, v14;
	v43 =	vld [tilespmem:s3+$0x0]  }
0x10b: {  	v18 =	vadd.f32 v44, v18;
	v11 =	vadd.f32 v25, v11;
	v25 =	vld [tilespmem:s16+$0x80]  }
0x10c: {  	v44 =	vld [tilespmem:s3+$0x80];
	v7 =	vadd.f32 v28, v7;
	v10 =	vadd.f32 v45, v10  }
0x10d: {  	v14 =	vadd.f32 v46, v14;
	v11 =	vadd.f32 v27, v11;
	v27 =	vld [tilespmem:s16+$0x100]  }
0x10e: {  	v21 =	vld [tilespmem:s9+$0x0];
	v18 =	vadd.f32 v47, v18;
	v7 =	vadd.f32 v32, v7  }
0x10f: {  	v45 =	vld [tilespmem:s3+$0x100];
	v10 =	vadd.f32 v48, v10;
	v14 =	vadd.f32 v49, v14  }
0x110: {  	v46 =	vld [tilespmem:s11+$0x180];
	v18 =	vadd.f32 v50, v18;
	v25 =	vadd.f32 v25, v63  }
0x111: {  	v47 =	vld [tilespmem:s11+$0x200];
	v10 =	vadd.f32 v51, v10;
	v14 =	vadd.f32 v52, v14  }
0x112: {  	v23 =	vld [tilespmem:s12+$0x0];
	v18 =	vadd.f32 v53, v18;
	v25 =	vadd.f32 v27, v25  }
0x113: {  	v48 =	vld [tilespmem:s11+$0x280];
	v10 =	vadd.f32 v54, v10;
	v14 =	vadd.f32 v55, v14  }
0x114: {  	v49 =	vld [tilespmem:s11+$0x300];
	v18 =	vadd.f32 v41, v18;
	v16 =	vadd.f32 v16, v25  }
0x115: {  	v50 =	vld [tilespmem:s11+$0x380];
	v11 =	vadd.f32 v29, v11;
	v9 =	vadd.f32 v9, v10  }
0x116: {  	v51 =	vld [tilespmem:s3+$0x200];
	v14 =	vadd.f32 v56, v14;
	v16 =	vadd.f32 v20, v16  }
0x117: {  	s18 =	sadd.s32 $0x17780, s2;
	v52 =	vld [tilespmem:s3+$0x300];
	v8 =	vadd.f32 v8, v18;
	v11 =	vadd.f32 v31, v11  }
0x118: {  	s19 =	sor.u32 s1, s18;
	v10 =	vld [tilespmem:s11+$0x0];
	v9 =	vadd.f32 v57, v9;
	v16 =	vadd.f32 v22, v16  }
0x119: {  	v29 =	vld [tilespmem:s19+$0x0];
	v13 =	vadd.f32 v13, v14;
	v8 =	vadd.f32 v58, v8  }
0x11a: {  	s12 =	sor.u32 s15, s18;
	v53 =	vld [tilespmem:s3+$0x380];
	v11 =	vadd.f32 v33, v11;
	v16 =	vadd.f32 v24, v16  }
0x11b: {  	s22 =	sadd.s32 $0x17880, s2;
	s14 =	sor.u32 s7, s18;
	v54 =	vld [tilespmem:s12+$0x0];
	v9 =	vadd.f32 v15, v9;
	v13 =	vadd.f32 v59, v13  }
0x11c: {  	s21 =	sor.u32 s1, s22;
	v55 =	vld [tilespmem:s14+$0x0];
	v8 =	vadd.f32 v17, v8;
	v14 =	vadd.f32 v26, v16  }
0x11d: {  	s19 =	sadd.s32 $0x17900, s2;
	v31 =	vld [tilespmem:s21+$0x0];
	v10 =	vadd.f32 v42, v10;
	v11 =	vadd.f32 v35, v11  }
0x11e: {  	s16 =	sadd.s32 $0x17980, s2;
	s23 =	sor.u32 s1, s19;
	v15 =	vld [tilespmem:s11+$0x100];
	v9 =	vadd.f32 v60, v9;
	v14 =	vadd.f32 v29, v14  }
0x11f: {  	s24 =	sor.u32 s1, s16;
	v33 =	vld [tilespmem:s23+$0x0];
	v13 =	vadd.f32 v19, v13;
	v8 =	vadd.f32 v61, v8  }
0x120: {  	s6 =	sadd.s32 $0x17A00, s2;
	v34 =	vld [tilespmem:s24+$0x0];
	v11 =	vadd.f32 v37, v11;
	v14 =	vadd.f32 v30, v14  }
0x121: {  	s25 =	sor.u32 s1, s6;
	v63 =	vld [tilespmem:s17+$0x300];
	v9 =	vadd.f32 v21, v9;
	v13 =	vadd.f32 v62, v13  }
0x122: {  	v27 =	vld [tilespmem:s25+$0x0];
	v8 =	vadd.f32 v23, v8;
	v14 =	vadd.f32 v31, v14  }
0x123: {  	v35 =	vld [tilespmem:s17+$0x200];
	v10 =	vadd.f32 v15, v10;
	v11 =	vadd.f32 $3.200000000e+05, v11  }
0x124: {  	s4 =	sadd.s32 $0x17A80, s2;
	v9 =	vadd.f32 $3.200000000e+05, v9;
	v12 =	vadd.f32 v33, v14;
	v14 =	vld [tilespmem:s3+$0x180]  }
0x125: {  	s26 =	sor.u32 s1, s4;
	s2 =	sadd.s32 $0x17B00, s2;
	v20 =	vld [tilespmem:s17+$0x280];
	v13 =	vadd.f32 $3.200000000e+05, v13;
	v16 =	vadd.f32 v44, v43  }
0x126: {  	s9 =	sor.u32 s1, s2;
	v25 =	vld [tilespmem:s26+$0x0];
	v8 =	vadd.f32 $3.200000000e+05, v8;
	v10 =	vadd.f32 v46, v10  }
0x127: {  	v36 =	vld [tilespmem:s9+$0x0];
	v16 =	vadd.f32 v45, v16;
	v12 =	vadd.f32 v34, v12  }
0x128: {  	s21 =	sor.u32 s7, s10;
	v15 =	vld [tilespmem:s3+$0x280];
	v7 =	vadd.f32 v35, v7;
	v10 =	vadd.f32 v47, v10  }
0x129: {  	s8 =	sor.u32 s7, s19;
	v58 =	vld [tilespmem:s21+$0x0];
	v12 =	vadd.f32 v27, v12;
	v14 =	vadd.f32 v14, v16  }
0x12a: {  	s12 =	sor.u32 s7, s16;
	v59 =	vld [tilespmem:s8+$0x0];
	v7 =	vadd.f32 v20, v7;
	v10 =	vadd.f32 v48, v10  }
0x12b: {  	v61 =	vld [tilespmem:s12+$0x0];
	s17 =	sor.u32 s20, s18;
	v12 =	vadd.f32 v25, v12;
	v14 =	vadd.f32 v51, v14  }
0x12c: {  	s18 =	sor.u32 s15, s10;
	v56 =	vld [tilespmem:s17+$0x0];
	(erf) = vrcp.f32 v11;
	v7 =	vadd.f32 v63, v7;
	v10 =	vadd.f32 v49, v10  }
0x12d: {  	s24 =	sor.u32 s15, s22;
	v57 =	vld [tilespmem:s18+$0x0];
	(erf) = vrcp.f32 v9;
	v9 =	vadd.f32 v36, v12;
	v11 =	vadd.f32 v15, v14  }
0x12e: {  	s23 =	sor.u32 s20, s10;
	(erf) = vrcp.f32 v13;
	v7 =	vadd.f32 v40, v7;
	v10 =	vadd.f32 v50, v10;
	v12 =	vld [tilespmem:s24+$0x0]  }
0x12f: {  	s25 =	sor.u32 s7, s22;
	(erf) = vrcp.f32 v8;
	v14 =	vld [tilespmem:s23+$0x0];
	v9 =	vadd.f32 $3.200000000e+05, v9;
	v11 =	vadd.f32 v52, v11  }
0x130: {  	s5 =	sor.u32 s15, s19;
	v7 =	vadd.f32 v54, v7;
	v15 =	vld [tilespmem:s25+$0x0]  }
0x131: {  	s26 =	sor.u32 s20, s22;
	v13 =	vld [tilespmem:s5+$0x0];
	v10 =	vadd.f32 v55, v10;
	(erf) = vrcp.f32 v9;
	v9 =	vadd.f32 v53, v11  }
0x132: {  	s10 =	sor.u32 s15, s16;
	v8 =	vld [tilespmem:s26+$0x0];
	v7 =	vadd.f32 v57, v7  }
0x133: {  	s9 =	sor.u32 s20, s19;
	v60 =	vld [tilespmem:s10+$0x0];
	v10 =	vadd.f32 v58, v10;
	v9 =	vadd.f32 v56, v9  }
0x134: {  	s11 =	sand.u32 $0x380, s29;
	s17 =	sor.u32 s20, s16;
	v11 =	vld [tilespmem:s9+$0x0];
	v7 =	vadd.f32 v12, v7  }
0x135: {  	s0 =	sand.u32 $0x380, s0;
	s19 =	sor.u32 s15, s6;
	s14 =	sadd.s32 $0x13B80, s11;
	v63 =	vld [tilespmem:s17+$0x0];
	v62 =	vpop (erf);
	v10 =	vadd.f32 v15, v10;
	v9 =	vadd.f32 v14, v9  }
0x136: {  	s0 =	sadd.s32 $0x13B80, s0;
	s3 =	sor.u32 s28, s14;
	s23 =	sor.u32 s20, s6;
	v12 =	vpop (erf);
	v15 =	vld [tilespmem:s19+$0x0];
	v13 =	vadd.f32 v13, v7  }
0x137: {  	s29 =	simm.s32 $0x400;
	s22 =	sor.u32 s7, s6;
	s18 =	sor.u32 s30, s14;
	[tilespmem:s3+$0x0] =	vst v62;
	v7 =	vld [tilespmem:s23+$0x0];
	v10 =	vadd.f32 v59, v10;
	v14 =	vpop (erf);
	v9 =	vadd.f32 v8, v9  }
0x138: {  	s21 =	sor.u32 s31, s14;
	s31 =	sor.u32 s20, s0;
	s25 =	sor.u32 s7, s4;
	v16 =	vadd.f32 v60, v13;
	[tilespmem:s18+$0x0] =	vst v14;
	v14 =	vpop (erf);
	v8 =	vld [tilespmem:s22+$0x0]  }
0x139: {  	s16 =	sor.u32 s7, s0;
	s0 =	sor.u32 s1, s0;
	s24 =	sor.u32 s15, s4;
	[tilespmem:s21+$0x0] =	vst v14;
	v14 =	vadd.f32 v61, v10;
	v10 =	vld [tilespmem:s25+$0x0];
	v11 =	vadd.f32 v11, v9  }
0x13a: {  	s30 =	simm.s32 $0x80;
	s26 =	sor.u32 s20, s4;
	s28 =	simm.s32 $0x4;
	[tilespmem:s13+$0x0] =	vst v12;
	v9 =	vld [tilespmem:s24+$0x0];
	v12 =	vpop (erf)  }
0x13b: {  	s19 =	sor.u32 s20, s2;
	s23 =	sor.u32 s7, s2;
	s22 =	sor.u32 s15, s2;
	[tilespmem:s0+$0x0] =	vst v12;
	v12 =	vadd.f32 v15, v16;
	v13 =	vadd.f32 v63, v11;
	v11 =	vld [tilespmem:s26+$0x0]  }
.LBB2_8:
0x13c: {  	s7 =	sand.u32 $0x40, s30;
	s20 =	sand.u32 $0x1C00, s29  }
0x13d: {  	s3 =	sor.u32 $0x16380, s20;
	s1 =	sor.u32 $0x10, s7  }
0x13e: {  	v15 =	vld [tilespmem:s22+$0x0];
	s2 =	sor.u32 s1, s3  }
0x13f: {  	v16 =	vld [tilespmem:s2+$0x0]  }
0x140: {  	s0 =	sor.u32 $0x30, s7;
	v8 =	vadd.f32 v8, v14;
	v14 =	vld [tilespmem:s23+$0x0]  }
0x141: {  	s5 =	sor.u32 s0, s3;
	v9 =	vadd.f32 v9, v12;
	v12 =	vld [tilespmem:s19+$0x0]  }
0x142: {  	v7 =	vadd.f32 v7, v13;
	v13 =	vld [tilespmem:s5+$0x0]  }
0x143: {  	s6 =	sor.u32 s7, s3;
	v8 =	vadd.f32 v10, v8;
	v10 =	vld [tilespmem:s5+$0x80]  }
0x144: {  	v7 =	vadd.f32 v11, v7;
	v11 =	vld [tilespmem:s6+$0x0]  }
0x145: {  	v9 =	vadd.f32 v15, v9;
	v15 =	vld [tilespmem:s5+$0x100]  }
0x146: {  	v8 =	vadd.f32 v14, v8;
	v14 =	vld [tilespmem:s6+$0x80]  }
0x147: {  	v9 =	vadd.f32 $3.200000000e+05, v9;
	v7 =	vadd.f32 v12, v7;
	v12 =	vld [tilespmem:s5+$0x180]  }
0x148: {  	s15 =	sor.u32 $0x20, s7;
	v17 =	vld [tilespmem:s2+$0x100];
	v8 =	vadd.f32 $3.200000000e+05, v8;
	v10 =	vadd.f32 v10, v13  }
0x149: {  	s4 =	sor.u32 s15, s3;
	(erf) = vrcp.f32 v9;
	v9 =	vld [tilespmem:s5+$0x200];
	v7 =	vadd.f32 $3.200000000e+05, v7  }
0x14a: {  	v58 =	vld [tilespmem:s4+$0x100];
	(erf) = vrcp.f32 v8;
	v10 =	vadd.f32 v15, v10  }
0x14b: {  	(erf) = vrcp.f32 v7;
	v7 =	vadd.f32 v14, v11;
	v11 =	vld [tilespmem:s5+$0x280]  }
0x14c: {  	v13 =	vld [tilespmem:s4+$0x0];
	v10 =	vadd.f32 v12, v10  }
0x14d: {  	v12 =	vld [tilespmem:s5+$0x300]  }
0x14e: {  	v14 =	vld [tilespmem:s4+$0x80];
	v9 =	vadd.f32 v9, v10  }
0x14f: {  	s18 =	sadd.s32 $0x17780, s20;
	v10 =	vld [tilespmem:s5+$0x380]  }
0x150: {  	s22 =	sor.u32 s0, s18;
	v8 =	vld [tilespmem:s2+$0x80];
	v9 =	vadd.f32 v11, v9  }
0x151: {  	s13 =	sadd.s32 $0x40, s13;
	s8 =	sadd.s32 $0x17800, s20;
	s26 =	sadd.s32 $0x17880, s20;
	v11 =	vld [tilespmem:s22+$0x0]  }
0x152: {  	s10 =	sadd.s32 $0x17900, s20;
	s21 =	sor.u32 s1, s18;
	s25 =	sor.u32 s0, s8;
	v15 =	vld [tilespmem:s6+$0x100];
	v57 =	vpop (erf);
	v9 =	vadd.f32 v12, v9  }
0x153: {  	s3 =	sor.u32 s15, s18;
	s24 =	sor.u32 s1, s8;
	s12 =	sor.u32 s15, s8;
	v13 =	vadd.f32 v14, v13;
	v14 =	vld [tilespmem:s25+$0x0];
	[tilespmem:s13+$0x0] =	vst v57  }
0x154: {  	s9 =	sor.u32 s0, s26;
	s11 =	sor.u32 s15, s26;
	[dreg:$0x5] =	wrdreg s21;
	v61 =	vld [tilespmem:s6+$0x380];
	v12 =	vpop (erf);
	v9 =	vadd.f32 v10, v9  }
0x155: {  	s17 =	sor.u32 s7, s10;
	s14 =	sor.u32 s0, s10;
	[dreg:$0x8] =	wrdreg s24;
	[tilespmem:s16+$0x0] =	vst v12;
	v12 =	vpop (erf);
	v10 =	vld [tilespmem:s9+$0x0]  }
0x156: {  	s24 =	sor.u32 s1, s10;
	s21 =	sor.u32 s15, s10;
	s19 =	sor.u32 s7, s18;
	[tilespmem:s31+$0x0] =	vst v12;
	v12 =	vld [tilespmem:s6+$0x180];
	v9 =	vadd.f32 v11, v9  }
0x157: {  	s23 =	sor.u32 s7, s8;
	[dreg:$0x7] =	wrdreg s19;
	s19 =	sadd.s32 $0x17980, s20;
	v11 =	vld [tilespmem:s14+$0x0]  }
0x158: {  	s18 =	sor.u32 s7, s26;
	[dreg:$0xa] =	wrdreg s23;
	v7 =	vadd.f32 v15, v7;
	s22 =	sor.u32 s0, s19;
	v15 =	vld [tilespmem:s2+$0x180];
	v9 =	vadd.f32 v14, v9  }
0x159: {  	s23 =	sadd.s32 $0x17A00, s20;
	s10 =	sor.u32 s7, s19;
	v8 =	vadd.f32 v8, v16;
	s25 =	sor.u32 s1, s19;
	v14 =	vld [tilespmem:s22+$0x0]  }
0x15a: {  	s16 =	sor.u32 s1, s26;
	s26 =	sor.u32 s15, s19;
	s19 =	sor.u32 s0, s23;
	v59 =	vld [tilespmem:s4+$0x180];
	v9 =	vadd.f32 v10, v9  }
0x15b: {  	[dreg:$0x6] =	wrdreg s3;
	s5 =	sor.u32 s15, s23;
	v8 =	vadd.f32 v17, v8;
	s22 =	sadd.s32 $0x17A80, s20;
	v10 =	vld [tilespmem:s19+$0x0]  }
0x15c: {  	s9 =	sor.u32 s7, s23;
	s14 =	sor.u32 s1, s23;
	s23 =	sor.u32 s0, s22;
	v7 =	vadd.f32 v12, v7;
	v12 =	vld [tilespmem:s6+$0x200];
	v9 =	vadd.f32 v11, v9  }
0x15d: {  	s31 =	sadd.s32 $0x17B00, s20;
	s3 =	sor.u32 s7, s22;
	s8 =	sor.u32 s1, s22;
	v11 =	vld [tilespmem:s23+$0x0]  }
0x15e: {  	s20 =	sor.u32 s15, s22;
	s22 =	sor.u32 s7, s31;
	s7 =	sor.u32 s0, s31;
	v8 =	vadd.f32 v15, v8;
	v15 =	vld [tilespmem:s2+$0x200];
	v9 =	vadd.f32 v14, v9  }
0x15f: {  	v14 =	vld [tilespmem:s7+$0x0]  }
0x160: {  	v60 =	vld [tilespmem:s4+$0x200];
	v9 =	vadd.f32 v10, v9  }
0x161: {  	v10 =	vld [tilespmem:s6+$0x280]  }
0x162: {  	v7 =	vadd.f32 v12, v7;
	v12 =	vld [tilespmem:s2+$0x280];
	v9 =	vadd.f32 v11, v9  }
0x163: {  	v13 =	vadd.f32 v58, v13;
	v8 =	vadd.f32 v15, v8;
	v15 =	vld [tilespmem:s6+$0x300]  }
0x164: {  	v11 =	vld [tilespmem:s4+$0x280];
	v9 =	vadd.f32 v14, v9  }
0x165: {  	v13 =	vadd.f32 v59, v13;
	v14 =	vld [tilespmem:s2+$0x300]  }
0x166: {  	v7 =	vadd.f32 v10, v7;
	v10 =	vld [tilespmem:s4+$0x300];
	v9 =	vadd.f32 $3.200000000e+05, v9  }
0x167: {  	v13 =	vadd.f32 v60, v13;
	v8 =	vadd.f32 v12, v8;
	v12 =	vld [tilespmem:s2+$0x380]  }
0x168: {  	(erf) = vrcp.f32 v9;
	v9 =	vld [tilespmem:s4+$0x380];
	s4 =	rddreg [dreg:$0x7]  }
0x169: {  	s6 =	rddreg [dreg:$0x5];
	v11 =	vadd.f32 v11, v13;
	v13 =	vld [tilespmem:s4+$0x0]  }
0x16a: {  	s7 =	rddreg [dreg:$0x6];
	v8 =	vadd.f32 v14, v8;
	v14 =	vld [tilespmem:s6+$0x0]  }
0x16b: {  	v7 =	vadd.f32 v15, v7;
	s4 =	rddreg [dreg:$0xa];
	v10 =	vadd.f32 v10, v11;
	v11 =	vld [tilespmem:s7+$0x0]  }
0x16c: {  	s6 =	rddreg [dreg:$0x8];
	v15 =	vld [tilespmem:s4+$0x0]  }
0x16d: {  	v7 =	vadd.f32 v61, v7;
	v8 =	vadd.f32 v12, v8;
	v12 =	vld [tilespmem:s6+$0x0]  }
0x16e: {  	v9 =	vadd.f32 v9, v10;
	v10 =	vld [tilespmem:s12+$0x0]  }
0x16f: {  	v7 =	vadd.f32 v13, v7;
	v13 =	vld [tilespmem:s18+$0x0]  }
0x170: {  	s7 =	sand.u32 $0x380, s30;
	v8 =	vadd.f32 v14, v8;
	v14 =	vld [tilespmem:s16+$0x0]  }
0x171: {  	s2 =	sadd.s32 $0x13B80, s7;
	v7 =	vadd.f32 v15, v7;
	v15 =	vld [tilespmem:s11+$0x0]  }
0x172: {  	s0 =	sor.u32 s0, s2;
	v9 =	vadd.f32 v11, v9;
	v8 =	vadd.f32 v12, v8;
	v12 =	vld [tilespmem:s24+$0x0];
	v11 =	vpop (erf)  }
0x173: {  	[tilespmem:s0+$0x0] =	vst v11;
	v11 =	vld [tilespmem:s17+$0x0]  }
0x174: {  	v9 =	vadd.f32 v10, v9;
	v10 =	vld [tilespmem:s21+$0x0]  }
0x175: {  	v7 =	vadd.f32 v13, v7;
	v13 =	vld [tilespmem:s10+$0x0]  }
0x176: {  	v8 =	vadd.f32 v14, v8;
	v14 =	vld [tilespmem:s25+$0x0]  }
0x177: {  	s28 =	sadd.s32 $0x4, s28;
	v9 =	vadd.f32 v15, v9;
	v15 =	vld [tilespmem:s9+$0x0]  }
0x178: {  	p0 =	slt.u32 s28, $0x24;
	v7 =	vadd.f32 v11, v7;
	v11 =	vld [tilespmem:s26+$0x0]  }
.Ltmp3:
0x179: {  	v12 =	vadd.f32 v12, v8;
	v8 =	vld [tilespmem:s14+$0x0];
	(pc) =	sbr.rel @p0 .LBB2_8-.Ltmp3, $4  }
0x17a: {  	v62 =	vadd.f32 v10, v9;
	v9 =	vld [tilespmem:s3+$0x0]  }
0x17b: {  	v10 =	vld [tilespmem:s8+$0x0];
	v63 =	vadd.f32 v13, v7  }
0x17c: {  	s29 =	sadd.s32 $0x200, s29;
	s19 =	sor.u32 s15, s31;
	s23 =	sor.u32 s1, s31;
	v14 =	vadd.f32 v14, v12;
	v7 =	vld [tilespmem:s5+$0x0]  }
0x17d: {  	s30 =	sadd.s32 $0x40, s30;
	s31 =	sor.u32 s15, s2;
	s16 =	sor.u32 s1, s2;
	v12 =	vadd.f32 v15, v63;
	v13 =	vadd.f32 v11, v62;
	v11 =	vld [tilespmem:s20+$0x0]  }
0x17e: {  	v15 =	vld [tilespmem:s22+$0x0]  }
0x17f: {  	v16 =	vld [tilespmem:s23+$0x0]  }
0x180: {  	v8 =	vadd.f32 v8, v14;
	v63 =	vld [tilespmem:s19+$0x0]  }
0x181: {  	v9 =	vadd.f32 v9, v12;
	v7 =	vadd.f32 v7, v13  }
0x182: {  	v8 =	vadd.f32 v10, v8  }
0x183: {  	v7 =	vadd.f32 v11, v7;
	v9 =	vadd.f32 v15, v9  }
0x184: {  	v8 =	vadd.f32 v16, v8  }
0x185: {  	v9 =	vadd.f32 $3.200000000e+05, v9;
	v7 =	vadd.f32 v63, v7  }
0x186: {  	v8 =	vadd.f32 $3.200000000e+05, v8  }
0x187: {  	v7 =	vadd.f32 $3.200000000e+05, v7;
	(erf) = vrcp.f32 v9  }
0x188: {  	(erf) = vrcp.f32 v8  }
0x189: {  	(erf) = vrcp.f32 v7;
	_ =	sdelay $0x6  }
0x18a: {  	s0 =	sadd.s32 $0x40, s13;
	v7 =	vpop (erf)  }
0x18b: {  	[tilespmem:s0+$0x0] =	vst v7;
	v7 =	vpop (erf)  }
0x18c: {  	[tilespmem:s16+$0x0] =	vst v7;
	v7 =	vpop (erf)  }
0x18d: {  	[tilespmem:s31+$0x0] =	vst v7  }
0x18e: {  	s4 =	simm.s32 $0x13B80;
	s5 =	simm.s32 $0x2;
	s0 =	rddreg [dreg:$0x16]  }
0x18f: {  	[spmem:s0] =	stream.linear.scatter [tilespmem:s4], [sflag:$0x2], $0x280, $0x38;
	[tilespmem:$0x1B600] =	vst v63  }
0x190: {  	_ =	swait.ge [sflag:s5], $0x280  }
0x191: {  	[sflag:s5] =	ssyncset.done $0x0  }
0x192: {  	[sflag:s5] =	ssyncadd.s32 $0xFFFFFD80  }
0x193: {  	[bflag:$0x0] =	sbarrier.arrive $0xFFFF  }
0x194: {  	s31 =	rddreg [dreg:$0x3]  }
0x195: {  	[tilespmem:s4], [sflag:$0x2] =	stream.linear.gather [spmem:s31], $0x2800, $0x38;
	[tilespmem:$0x1B600] =	vst v63  }
0x196: {  	_ =	swait.ge [sflag:s5], $0x2800  }
0x197: {  	[sflag:s5] =	ssyncset.done $0x0  }
0x198: {  	s0 =	simm.s32 $0x40;
	[sflag:s5] =	ssyncadd.s32 $0xFFFFD800  }
0x199: {  	[tilespmem:s0+$0xFFFFFFC0] =	vst v0  }
0x19a: {  	[tilespmem:s0+$0x30] =	vst v0  }
0x19b: {  	[tilespmem:s0+$0x20] =	vst v0  }
0x19c: {  	[tilespmem:s0+$0x10] =	vst v0  }
0x19d: {  	[tilespmem:s0+$0x0] =	vst v0  }
0x19e: {  	[tilespmem:s0+$0xFFFFFFF0] =	vst v0  }
0x19f: {  	s1 =	simm.s32 $0x0;
	s3 =	simm.s32 $0x0;
	[tilespmem:s0+$0xFFFFFFE0] =	vst v0  }
.LBB2_10:
0x1a0: {  	s1 =	sadd.s32 $0x8, s1;
	[tilespmem:s0+$0xFFFFFFD0] =	vst v0;
	s0 =	sadd.s32 $0x80, s0  }
0x1a1: {  	[tilespmem:s0+$0xFFFFFFC0] =	vst v0;
	p0 =	slt.u32 s1, $0x278  }
0x1a2: {  	[tilespmem:s0+$0x30] =	vst v0  }
.Ltmp4:
0x1a3: {  	[tilespmem:s0+$0x20] =	vst v0;
	(pc) =	sbr.rel @p0 .LBB2_10-.Ltmp4, $4  }
0x1a4: {  	[tilespmem:s0+$0x10] =	vst v0  }
0x1a5: {  	[tilespmem:s0+$0x0] =	vst v0  }
0x1a6: {  	[tilespmem:s0+$0xFFFFFFF0] =	vst v0  }
0x1a7: {  	[tilespmem:s0+$0xFFFFFFE0] =	vst v0  }
0x1a8: {  	_ =	sdelay $0x2  }
0x1a9: {  	[tilespmem:s0+$0xFFFFFFD0] =	vst v0;
	s31 =	simm.s32 $0x0  }
0x1aa: {  	v7 =	vld.idx.msk [tilespmem:v4+s31+$0x30 ss:$0x1], $0xffff  }
0x1ab: {  	v8 =	vld.idx.msk [tilespmem:v1+s31+$0x0 ss:$0x1], $0xffff  }
0x1ac: {  	v9 =	vld.idx.msk [tilespmem:v4+s31+$0xFFFFFFD0 ss:$0x1], $0xffff  }
0x1ad: {  	v10 =	vld.idx.msk [tilespmem:v4+s31+$0xFFFFFFE0 ss:$0x1], $0xffff  }
0x1ae: {  	v11 =	vld.idx.msk [tilespmem:v4+s31+$0xFFFFFFF0 ss:$0x1], $0xffff  }
0x1af: {  	v12 =	vld.idx.msk [tilespmem:v4+s31+$0x0 ss:$0x1], $0xffff  }
0x1b0: {  	v13 =	vld.idx.msk [tilespmem:v5+s31+$0x30 ss:$0x1], $0xffff  }
0x1b1: {  	v14 =	vld.idx.msk [tilespmem:v6+s31+$0x30 ss:$0x1], $0xffff  }
0x1b2: {  	v15 =	vld.idx.msk [tilespmem:v4+s31+$0x10 ss:$0x1], $0xffff  }
0x1b3: {  	v16 =	vld.idx.msk [tilespmem:v4+s31+$0x20 ss:$0x1], $0xffff  }
0x1b4: {  	v57 =	vld.idx.msk [tilespmem:v2+s31+$0x0 ss:$0x1], $0xffff  }
0x1b5: {  	v58 =	vld.idx.msk [tilespmem:v3+s31+$0x0 ss:$0x1], $0xffff  }
0x1b6: {  	v59 =	vld.idx.msk [tilespmem:v6+s31+$0xFFFFFFD0 ss:$0x1], $0xffff  }
0x1b7: {  	v17 =	vld.idx.msk [tilespmem:v6+s31+$0xFFFFFFE0 ss:$0x1], $0xffff  }
0x1b8: {  	v18 =	vld.idx.msk [tilespmem:v5+s31+$0xFFFFFFD0 ss:$0x1], $0xffff  }
0x1b9: {  	v19 =	vld.idx.msk [tilespmem:v6+s31+$0xFFFFFFF0 ss:$0x1], $0xffff  }
0x1ba: {  	v20 =	vld.idx.msk [tilespmem:v6+s31+$0x0 ss:$0x1], $0xffff  }
0x1bb: {  	v60 =	vld.idx.msk [tilespmem:v5+s31+$0xFFFFFFE0 ss:$0x1], $0xffff  }
0x1bc: {  	v61 =	vld.idx.msk [tilespmem:v5+s31+$0xFFFFFFF0 ss:$0x1], $0xffff  }
0x1bd: {  	v62 =	vld.idx.msk [tilespmem:v5+s31+$0x0 ss:$0x1], $0xffff  }
0x1be: {  	v21 =	vld.idx.msk [tilespmem:v6+s31+$0x10 ss:$0x1], $0xffff  }
0x1bf: {  	v7 =	vld.idx.msk [tilespmem:v7+s4+$0x0], $0xffff  }
0x1c0: {  	v8 =	vld.idx.msk [tilespmem:v8+s4+$0x0], $0xffff  }
0x1c1: {  	v63 =	vld.idx.msk [tilespmem:v6+s31+$0x20 ss:$0x1], $0xffff  }
0x1c2: {  	v9 =	vld.idx.msk [tilespmem:v9+s4+$0x0], $0xffff  }
0x1c3: {  	v10 =	vld.idx.msk [tilespmem:v10+s4+$0x0], $0xffff  }
0x1c4: {  	v11 =	vld.idx.msk [tilespmem:v11+s4+$0x0], $0xffff;
	v7 =	vmul.f32 v7, v14  }
0x1c5: {  	v12 =	vld.idx.msk [tilespmem:v12+s4+$0x0], $0xffff;
	v8 =	vmul.f32 v8, v58  }
0x1c6: {  	[tilespmem:v13+s3+$0x0] =	vst.idx.add.f32.msk $0xffff, v7  }
0x1c7: {  	[tilespmem:v57+s3+$0x0] =	vst.idx.add.f32.msk $0xffff, v8  }
0x1c8: {  	v8 =	vmul.f32 v9, v59;
	v9 =	vld.idx.msk [tilespmem:v5+s31+$0x10 ss:$0x1], $0xffff  }
0x1c9: {  	v10 =	vmul.f32 v10, v17;
	v7 =	vld.idx.msk [tilespmem:v15+s4+$0x0], $0xffff  }
0x1ca: {  	v56 =	vld.idx.msk [tilespmem:v16+s4+$0x0], $0xffff;
	v11 =	vmul.f32 v11, v19  }
0x1cb: {  	v12 =	vmul.f32 v12, v20;
	[tilespmem:v60+s3+$0x0] =	vst.idx.add.f32.msk $0xffff, v10  }
0x1cc: {  	[tilespmem:v61+s3+$0x0] =	vst.idx.add.f32.msk $0xffff, v11  }
0x1cd: {  	[tilespmem:v62+s3+$0x0] =	vst.idx.add.f32.msk $0xffff, v12  }
0x1ce: {  	[tilespmem:v18+s3+$0x0] =	vst.idx.add.f32.msk $0xffff, v8;
	v10 =	vmul.f32 v7, v21  }
0x1cf: {  	s0 =	simm.s32 $0x0;
	s1 =	simm.s32 $0x200;
	v8 =	vld.idx.msk [tilespmem:v5+s31+$0x20 ss:$0x1], $0xffff;
	v7 =	vmul.f32 v56, v63  }
.LBB2_12:
0x1d0: {  	s2 =	sshra.s32 s1, $0x2;
	s0 =	sadd.s32 $0x8, s0;
	[tilespmem:v9+s3+$0x0] =	vst.idx.add.f32.msk $0xffff, v10  }
0x1d1: {  	v9 =	vld.idx.msk [tilespmem:v4+s2+$0x30 ss:$0x1], $0xffff;
	p0 =	slt.u32 s0, $0x268  }
0x1d2: {  	v10 =	vld.idx.msk [tilespmem:v1+s2+$0x0 ss:$0x1], $0xffff  }
0x1d3: {  	v11 =	vld.idx.msk [tilespmem:v4+s2+$0xFFFFFFD0 ss:$0x1], $0xffff  }
0x1d4: {  	v12 =	vld.idx.msk [tilespmem:v4+s2+$0xFFFFFFE0 ss:$0x1], $0xffff  }
0x1d5: {  	v13 =	vld.idx.msk [tilespmem:v4+s2+$0xFFFFFFF0 ss:$0x1], $0xffff  }
0x1d6: {  	v14 =	vld.idx.msk [tilespmem:v4+s2+$0x0 ss:$0x1], $0xffff  }
0x1d7: {  	v15 =	vld.idx.msk [tilespmem:v5+s2+$0x30 ss:$0x1], $0xffff  }
0x1d8: {  	v16 =	vld.idx.msk [tilespmem:v6+s2+$0x30 ss:$0x1], $0xffff  }
0x1d9: {  	v9 =	vld.idx.msk [tilespmem:v9+s4+$0x0], $0xffff  }
0x1da: {  	v17 =	vld.idx.msk [tilespmem:v4+s2+$0x10 ss:$0x1], $0xffff  }
0x1db: {  	v18 =	vld.idx.msk [tilespmem:v4+s2+$0x20 ss:$0x1], $0xffff  }
0x1dc: {  	v10 =	vld.idx.msk [tilespmem:v10+s4+$0x0], $0xffff  }
0x1dd: {  	v11 =	vld.idx.msk [tilespmem:v11+s4+$0x0], $0xffff  }
0x1de: {  	v12 =	vld.idx.msk [tilespmem:v12+s4+$0x0], $0xffff  }
0x1df: {  	v9 =	vmul.f32 v9, v16;
	v13 =	vld.idx.msk [tilespmem:v13+s4+$0x0], $0xffff  }
0x1e0: {  	v14 =	vld.idx.msk [tilespmem:v14+s4+$0x0], $0xffff  }
0x1e1: {  	[tilespmem:v15+s3+$0x0] =	vst.idx.add.f32.msk $0xffff, v9  }
0x1e2: {  	v9 =	vld.idx.msk [tilespmem:v17+s4+$0x0], $0xffff  }
0x1e3: {  	v15 =	vld.idx.msk [tilespmem:v18+s4+$0x0], $0xffff  }
0x1e4: {  	v16 =	vld.idx.msk [tilespmem:v3+s2+$0x0 ss:$0x1], $0xffff  }
0x1e5: {  	v17 =	vld.idx.msk [tilespmem:v6+s2+$0xFFFFFFD0 ss:$0x1], $0xffff  }
0x1e6: {  	v18 =	vld.idx.msk [tilespmem:v6+s2+$0xFFFFFFE0 ss:$0x1], $0xffff  }
0x1e7: {  	v19 =	vld.idx.msk [tilespmem:v6+s2+$0xFFFFFFF0 ss:$0x1], $0xffff  }
0x1e8: {  	v20 =	vld.idx.msk [tilespmem:v6+s2+$0x0 ss:$0x1], $0xffff  }
0x1e9: {  	v21 =	vld.idx.msk [tilespmem:v6+s2+$0x10 ss:$0x1], $0xffff  }
0x1ea: {  	v16 =	vmul.f32 v10, v16;
	v22 =	vld.idx.msk [tilespmem:v6+s2+$0x20 ss:$0x1], $0xffff  }
0x1eb: {  	v11 =	vmul.f32 v11, v17;
	v23 =	vld.idx.msk [tilespmem:v2+s2+$0x0 ss:$0x1], $0xffff  }
0x1ec: {  	v12 =	vmul.f32 v12, v18;
	v17 =	vld.idx.msk [tilespmem:v5+s2+$0xFFFFFFD0 ss:$0x1], $0xffff  }
0x1ed: {  	v13 =	vmul.f32 v13, v19;
	v18 =	vld.idx.msk [tilespmem:v5+s2+$0xFFFFFFE0 ss:$0x1], $0xffff  }
0x1ee: {  	v14 =	vmul.f32 v14, v20;
	v19 =	vld.idx.msk [tilespmem:v5+s2+$0xFFFFFFF0 ss:$0x1], $0xffff  }
0x1ef: {  	v10 =	vmul.f32 v9, v21;
	v20 =	vld.idx.msk [tilespmem:v5+s2+$0x0 ss:$0x1], $0xffff  }
0x1f0: {  	v15 =	vmul.f32 v15, v22;
	v9 =	vld.idx.msk [tilespmem:v5+s2+$0x10 ss:$0x1], $0xffff  }
0x1f1: {  	v21 =	vld.idx.msk [tilespmem:v5+s2+$0x20 ss:$0x1], $0xffff  }
0x1f2: {  	[tilespmem:v8+s3+$0x0] =	vst.idx.add.f32.msk $0xffff, v7;
	v7 =	vmov v15  }
.Ltmp5:
0x1f3: {  	[tilespmem:v23+s3+$0x0] =	vst.idx.add.f32.msk $0xffff, v16;
	(pc) =	sbr.rel @p0 .LBB2_12-.Ltmp5, $4  }
0x1f4: {  	[tilespmem:v17+s3+$0x0] =	vst.idx.add.f32.msk $0xffff, v11  }
0x1f5: {  	[tilespmem:v18+s3+$0x0] =	vst.idx.add.f32.msk $0xffff, v12  }
0x1f6: {  	[tilespmem:v19+s3+$0x0] =	vst.idx.add.f32.msk $0xffff, v13;
	v8 =	vmov v21  }
0x1f7: {  	s1 =	sadd.s32 $0x200, s1;
	[tilespmem:v20+s3+$0x0] =	vst.idx.add.f32.msk $0xffff, v14  }
0x1f8: {  	_ =	sdelay $0x3  }
0x1f9: {  	[tilespmem:v9+s3+$0x0] =	vst.idx.add.f32.msk $0xffff, v10  }
0x1fa: {  	[tilespmem:v8+s3+$0x0] =	vst.idx.add.f32.msk $0xffff, v7  }
0x1fb: {  	s0 =	rddreg [dreg:$0x17]  }
0x1fc: {  	v7 =	vld [tilespmem:s0+$0x5000];
	_ =	sdelay $0x5  }
0x1fd: {  	v8 =	vld [tilespmem:s0+$0x9E80]  }
0x1fe: {  	s14 =	simm.s32 $0x13B80;
	v9 =	vld [tilespmem:s0+$0xED00]  }
0x1ff: {  	v7 =	vld.idx.msk [tilespmem:v7+s14+$0x0], $0xffff;
	_ =	sdelay $0x4  }
0x200: {  	v7 =	vmul.f32 v7, v9  }
0x201: {  	s29 =	simm.s32 $0x0  }
0x202: {  	s1 =	simm.s32 $0x80;
	s2 =	simm.s32 $0x400;
	s16 =	rddreg [dreg:$0x14];
	[tilespmem:v8+s29+$0x0] =	vst.idx.add.f32.msk $0xffff, v7  }
0x203: {  	[spmem:s16] =	stream.strided.scatter [tilespmem:s29], [sflag:$0x2], $0x2800, s2, s1, $0x38;
	[tilespmem:$0x1B600] =	vst v63  }
0x204: {  	_ =	swait.ge [sflag:s5], $0x2800  }
0x205: {  	[sflag:s5] =	ssyncset.done $0x0  }
0x206: {  	[sflag:s5] =	ssyncadd.s32 $0xFFFFD800  }
0x207: {  	s18 =	simm.s32 $0x1400;
	[bflag:$0x0] =	sbarrier.arrive $0xFFFF  }
0x208: {  	s19 =	simm.s32 $0x14000;
	s20 =	simm.s32 $0x16380;
	s17 =	rddreg [dreg:$0x15]  }
0x209: {  	[tilespmem:s20], [sflag:$0x2] =	stream.strided.gather [spmem:s17], $0x2800, s19, s18, $0x38;
	[tilespmem:$0x1B600] =	vst v63  }
0x20a: {  	s21 =	sand.u32 $0x1C00, s29;
	s0 =	sand.u32 $0x40, s29;
	_ =	swait.ge [sflag:s5], $0x2800  }
0x20b: {  	s22 =	sor.u32 $0x16380, s21;
	s28 =	sor.u32 $0x30, s0;
	[sflag:s5] =	ssyncset.done $0x0  }
0x20c: {  	s23 =	sor.u32 s28, s22;
	[sflag:s5] =	ssyncadd.s32 $0xFFFFD800  }
0x20d: {  	v16 =	vld [tilespmem:s23+$0x0]  }
0x20e: {  	s4 =	sor.u32 s0, s22;
	v17 =	vld [tilespmem:s23+$0x80]  }
0x20f: {  	v18 =	vld [tilespmem:s4+$0x0]  }
0x210: {  	v19 =	vld [tilespmem:s23+$0x100]  }
0x211: {  	s30 =	sor.u32 $0x10, s0;
	v20 =	vld [tilespmem:s4+$0x80]  }
0x212: {  	s24 =	sor.u32 s30, s22;
	v21 =	vld [tilespmem:s23+$0x180]  }
0x213: {  	v22 =	vld [tilespmem:s24+$0x0]  }
0x214: {  	v23 =	vld [tilespmem:s23+$0x200]  }
0x215: {  	v7 =	vld [tilespmem:s23+$0x380]  }
0x216: {  	s31 =	sor.u32 $0x20, s0;
	v24 =	vld [tilespmem:s24+$0x80]  }
0x217: {  	s6 =	sor.u32 s31, s22;
	v25 =	vld [tilespmem:s23+$0x280]  }
0x218: {  	v26 =	vld [tilespmem:s6+$0x0]  }
0x219: {  	s7 =	sadd.s32 $0x17780, s21;
	v27 =	vld [tilespmem:s23+$0x300]  }
0x21a: {  	s25 =	sor.u32 s28, s7;
	v28 =	vld [tilespmem:s6+$0x80];
	[tilespmem:$0x1FF60] =	vst v7  }
0x21b: {  	v7 =	vld [tilespmem:s25+$0x0];
	_ =	sdelay $0x3  }
0x21c: {  	s26 =	sadd.s32 $0x17800, s21  }
0x21d: {  	s15 =	sor.u32 s28, s26;
	v29 =	vld [tilespmem:s4+$0x100];
	[tilespmem:$0x1FF70] =	vst v7  }
0x21e: {  	v7 =	vld [tilespmem:s15+$0x0];
	_ =	sdelay $0x3  }
0x21f: {  	s8 =	sadd.s32 $0x17880, s21  }
0x220: {  	s16 =	sor.u32 s28, s8;
	v30 =	vld [tilespmem:s24+$0x100];
	[tilespmem:$0x1FF80] =	vst v7  }
0x221: {  	v7 =	vld [tilespmem:s16+$0x0];
	_ =	sdelay $0x3  }
0x222: {  	s9 =	sadd.s32 $0x17900, s21  }
0x223: {  	s17 =	sor.u32 s28, s9;
	v31 =	vld [tilespmem:s6+$0x100];
	[tilespmem:$0x1FF90] =	vst v7  }
0x224: {  	v7 =	vld [tilespmem:s17+$0x0];
	_ =	sdelay $0x3  }
0x225: {  	s10 =	sadd.s32 $0x17980, s21  }
0x226: {  	s18 =	sor.u32 s28, s10;
	v32 =	vld [tilespmem:s4+$0x180];
	[tilespmem:$0x1FFA0] =	vst v7  }
0x227: {  	v7 =	vld [tilespmem:s18+$0x0];
	_ =	sdelay $0x3  }
0x228: {  	s11 =	sadd.s32 $0x17A00, s21  }
0x229: {  	s19 =	sor.u32 s28, s11;
	v33 =	vld [tilespmem:s24+$0x180];
	[tilespmem:$0x1FFB0] =	vst v7  }
0x22a: {  	v7 =	vld [tilespmem:s19+$0x0];
	_ =	sdelay $0x3  }
0x22b: {  	s12 =	sadd.s32 $0x17A80, s21  }
0x22c: {  	s13 =	sor.u32 s28, s12;
	v34 =	vld [tilespmem:s6+$0x180];
	[tilespmem:$0x1FFC0] =	vst v7  }
0x22d: {  	v7 =	vld [tilespmem:s13+$0x0];
	_ =	sdelay $0x3  }
0x22e: {  	s2 =	sadd.s32 $0x17B00, s21;
	v18 =	vadd.f32 v20, v18  }
0x22f: {  	s1 =	sor.u32 s28, s2;
	v35 =	vld [tilespmem:s4+$0x200];
	[tilespmem:$0x1FFD0] =	vst v7  }
0x230: {  	v18 =	vadd.f32 v29, v18;
	v7 =	vld [tilespmem:s1+$0x0];
	_ =	sdelay $0x1  }
0x231: {  	v18 =	vadd.f32 v32, v18  }
0x232: {  	v32 =	vld [tilespmem:$0x1FF60]  }
0x233: {  	v18 =	vadd.f32 v35, v18;
	v35 =	vld [tilespmem:$0x1FF70]  }
0x234: {  	v36 =	vld [tilespmem:s24+$0x200];
	[tilespmem:$0x1FFE0] =	vst v7  }
0x235: {  	v37 =	vld [tilespmem:s6+$0x200]  }
0x236: {  	v38 =	vld [tilespmem:s4+$0x280]  }
0x237: {  	v39 =	vld [tilespmem:s24+$0x280]  }
0x238: {  	v40 =	vld [tilespmem:s6+$0x280]  }
0x239: {  	v41 =	vld [tilespmem:s4+$0x300]  }
0x23a: {  	v42 =	vld [tilespmem:s24+$0x300]  }
0x23b: {  	v43 =	vld [tilespmem:s6+$0x300]  }
0x23c: {  	v44 =	vld [tilespmem:s4+$0x380]  }
0x23d: {  	v45 =	vld [tilespmem:s24+$0x380]  }
0x23e: {  	s20 =	sor.u32 s0, s7;
	v46 =	vld [tilespmem:s6+$0x380]  }
0x23f: {  	s21 =	sor.u32 s30, s7;
	v47 =	vld [tilespmem:s20+$0x0]  }
0x240: {  	s22 =	sor.u32 s31, s7;
	v48 =	vld [tilespmem:s21+$0x0]  }
0x241: {  	s23 =	sor.u32 s0, s26;
	v49 =	vld [tilespmem:s22+$0x0]  }
0x242: {  	s3 =	sor.u32 s31, s26;
	v50 =	vld [tilespmem:s23+$0x0]  }
0x243: {  	s25 =	sor.u32 s0, s8;
	v52 =	vld [tilespmem:s3+$0x0]  }
0x244: {  	s5 =	sor.u32 s0, s9;
	v53 =	vld [tilespmem:s25+$0x0]  }
0x245: {  	s7 =	sor.u32 s31, s9;
	v56 =	vld [tilespmem:s5+$0x0]  }
0x246: {  	s13 =	sor.u32 s31, s10;
	v58 =	vld [tilespmem:s7+$0x0]  }
0x247: {  	s15 =	sor.u32 s0, s11;
	v61 =	vld [tilespmem:s13+$0x0]  }
0x248: {  	s16 =	sor.u32 s30, s11;
	v62 =	vld [tilespmem:s15+$0x0]  }
0x249: {  	s17 =	sor.u32 s31, s11;
	v63 =	vld [tilespmem:s16+$0x0]  }
0x24a: {  	s18 =	sor.u32 s0, s12;
	v15 =	vld [tilespmem:s17+$0x0]  }
0x24b: {  	s19 =	sor.u32 s30, s12;
	v13 =	vld [tilespmem:s18+$0x0]  }
0x24c: {  	s24 =	sor.u32 s30, s26;
	v12 =	vld [tilespmem:s19+$0x0]  }
0x24d: {  	s26 =	sor.u32 s30, s8;
	v51 =	vld [tilespmem:s24+$0x0]  }
0x24e: {  	s4 =	sor.u32 s31, s8;
	v54 =	vld [tilespmem:s26+$0x0]  }
0x24f: {  	s6 =	sor.u32 s30, s9;
	v55 =	vld [tilespmem:s4+$0x0]  }
0x250: {  	s8 =	sor.u32 s0, s10;
	v57 =	vld [tilespmem:s6+$0x0]  }
0x251: {  	s9 =	sor.u32 s30, s10;
	v59 =	vld [tilespmem:s8+$0x0]  }
0x252: {  	s20 =	sor.u32 s31, s12;
	v60 =	vld [tilespmem:s9+$0x0]  }
0x253: {  	s1 =	simm.s32 $0x40;
	s0 =	sor.u32 s0, s2;
	s21 =	simm.s32 $0x200;
	v14 =	vld [tilespmem:s20+$0x0]  }
0x254: {  	s22 =	sor.u32 s30, s2;
	s15 =	sand.u32 $0x40, s1;
	s23 =	sand.u32 $0x1C00, s21;
	v11 =	vld [tilespmem:s0+$0x0]  }
0x255: {  	s2 =	sor.u32 s31, s2;
	s0 =	sor.u32 $0x30, s15;
	v10 =	vld [tilespmem:s22+$0x0];
	s3 =	sor.u32 $0x16380, s23  }
0x256: {  	v16 =	vadd.f32 v17, v16;
	v17 =	vld [tilespmem:s2+$0x0];
	s24 =	sor.u32 s0, s3  }
0x257: {  	v7 =	vld [tilespmem:s24+$0x0]  }
0x258: {  	v16 =	vadd.f32 v19, v16;
	s25 =	sor.u32 s15, s3;
	v19 =	vld [tilespmem:s24+$0x80]  }
0x259: {  	v9 =	vld [tilespmem:s25+$0x0]  }
0x25a: {  	v16 =	vadd.f32 v21, v16;
	v21 =	vld [tilespmem:s24+$0x100]  }
0x25b: {  	v8 =	vld [tilespmem:s24+$0x180]  }
0x25c: {  	v16 =	vadd.f32 v23, v16;
	v23 =	vld [tilespmem:s24+$0x200]  }
0x25d: {  	v20 =	vld [tilespmem:s24+$0x280]  }
0x25e: {  	v22 =	vadd.f32 v24, v22;
	v16 =	vadd.f32 v25, v16;
	s26 =	sadd.s32 $0x17780, s23;
	v24 =	vld [tilespmem:s24+$0x300]  }
0x25f: {  	v25 =	vadd.f32 v28, v26;
	s22 =	sadd.s32 $0x17800, s23;
	s7 =	sor.u32 s0, s26;
	v28 =	vld [tilespmem:s24+$0x380]  }
0x260: {  	v16 =	vadd.f32 v27, v16;
	s20 =	sadd.s32 $0x17880, s23;
	s9 =	sor.u32 s0, s22;
	v27 =	vld [tilespmem:s7+$0x0]  }
0x261: {  	v25 =	vadd.f32 v31, v25;
	s19 =	sadd.s32 $0x17900, s23;
	s11 =	sor.u32 s0, s20;
	v29 =	vld [tilespmem:s9+$0x0]  }
0x262: {  	v22 =	vadd.f32 v30, v22;
	s6 =	sadd.s32 $0x17A00, s23;
	s12 =	sor.u32 s0, s19;
	v30 =	vld [tilespmem:s11+$0x0]  }
0x263: {  	v16 =	vadd.f32 v32, v16;
	v34 =	vadd.f32 v34, v25;
	s16 =	sor.u32 s0, s6;
	v25 =	vld [tilespmem:s12+$0x0]  }
0x264: {  	v22 =	vadd.f32 v33, v22;
	s4 =	sor.u32 $0x10, s15;
	v26 =	vld [tilespmem:s16+$0x0]  }
0x265: {  	v31 =	vadd.f32 v35, v16;
	s18 =	sor.u32 s4, s3;
	v35 =	vld [tilespmem:s25+$0x80]  }
0x266: {  	v22 =	vadd.f32 v36, v22;
	s2 =	sadd.s32 $0x17A80, s23;
	v36 =	vld [tilespmem:s18+$0x0]  }
0x267: {  	s17 =	sor.u32 s0, s2;
	s7 =	sadd.s32 $0x17980, s23;
	v18 =	vadd.f32 v38, v18;
	v38 =	vld [tilespmem:$0x1FF80]  }
0x268: {  	s16 =	sadd.s32 $0x17B00, s23;
	s13 =	sor.u32 s0, s7;
	v37 =	vadd.f32 v37, v34;
	v39 =	vadd.f32 v39, v22;
	v22 =	vld [tilespmem:s17+$0x0]  }
0x269: {  	s8 =	sor.u32 s0, s16;
	v16 =	vld [tilespmem:s13+$0x0]  }
0x26a: {  	v32 =	vadd.f32 v40, v37;
	v40 =	vadd.f32 v41, v18;
	v18 =	vld [tilespmem:s8+$0x0]  }
0x26b: {  	v41 =	vld [tilespmem:$0x1FF90]  }
0x26c: {  	v37 =	vld [tilespmem:s18+$0x80]  }
0x26d: {  	v33 =	vadd.f32 v42, v39;
	v39 =	vld [tilespmem:s18+$0x100]  }
0x26e: {  	v34 =	vadd.f32 v44, v40;
	v44 =	vld [tilespmem:$0x1FFA0]  }
0x26f: {  	v32 =	vadd.f32 v43, v32;
	v40 =	vld [tilespmem:s25+$0x180]  }
0x270: {  	v33 =	vadd.f32 v45, v33;
	v31 =	vadd.f32 v38, v31;
	v38 =	vld [tilespmem:s25+$0x100]  }
0x271: {  	s5 =	sor.u32 $0x20, s15;
	v7 =	vadd.f32 v19, v7;
	v34 =	vadd.f32 v47, v34;
	v47 =	vld [tilespmem:$0x1FFB0]  }
0x272: {  	s3 =	sor.u32 s5, s3;
	v32 =	vadd.f32 v46, v32;
	v31 =	vadd.f32 v41, v31;
	v41 =	vld [tilespmem:s18+$0x180]  }
0x273: {  	v7 =	vadd.f32 v21, v7;
	v36 =	vadd.f32 v37, v36;
	v37 =	vld [tilespmem:s3+$0x280]  }
0x274: {  	v33 =	vadd.f32 v48, v33;
	v34 =	vadd.f32 v50, v34;
	v50 =	vld [tilespmem:$0x1FFC0]  }
0x275: {  	v9 =	vadd.f32 v35, v9;
	v7 =	vadd.f32 v8, v7;
	v8 =	vld [tilespmem:s3+$0x80]  }
0x276: {  	s23 =	sor.u32 s4, s26;
	v32 =	vadd.f32 v49, v32;
	v33 =	vadd.f32 v51, v33;
	v49 =	vld [tilespmem:s3+$0x300]  }
0x277: {  	v51 =	vld [tilespmem:s23+$0x0];
	v31 =	vadd.f32 v44, v31;
	v34 =	vadd.f32 v53, v34  }
0x278: {  	v32 =	vadd.f32 v52, v32;
	v52 =	vld [tilespmem:s25+$0x200];
	v33 =	vadd.f32 v54, v33  }
0x279: {  	v53 =	vld [tilespmem:$0x1FFD0];
	v7 =	vadd.f32 v23, v7;
	v34 =	vadd.f32 v56, v34  }
0x27a: {  	v54 =	vld [tilespmem:s18+$0x200];
	v9 =	vadd.f32 v38, v9;
	v32 =	vadd.f32 v55, v32  }
0x27b: {  	v55 =	vld [tilespmem:s25+$0x280];
	v33 =	vadd.f32 v57, v33;
	v34 =	vadd.f32 v59, v34  }
0x27c: {  	v31 =	vadd.f32 v47, v31;
	v56 =	vld [tilespmem:$0x1FFE0];
	v32 =	vadd.f32 v58, v32  }
0x27d: {  	v57 =	vld [tilespmem:s18+$0x280];
	v33 =	vadd.f32 v60, v33;
	v34 =	vadd.f32 v62, v34  }
0x27e: {  	v31 =	vadd.f32 v50, v31;
	v50 =	vld [tilespmem:s3+$0x380];
	v32 =	vadd.f32 v61, v32  }
0x27f: {  	v33 =	vadd.f32 v63, v33;
	v13 =	vadd.f32 v13, v34;
	v34 =	vld [tilespmem:s3+$0x0]  }
0x280: {  	v7 =	vadd.f32 v20, v7;
	v59 =	vld [tilespmem:s25+$0x300];
	v15 =	vadd.f32 v15, v32  }
0x281: {  	v12 =	vadd.f32 v12, v33;
	v11 =	vadd.f32 v11, v13;
	v13 =	vld [tilespmem:s3+$0x100]  }
0x282: {  	v9 =	vadd.f32 v40, v9;
	v60 =	vld [tilespmem:s25+$0x380];
	v7 =	vadd.f32 v24, v7  }
0x283: {  	s12 =	sor.u32 s15, s19;
	v14 =	vadd.f32 v14, v15;
	v10 =	vadd.f32 v10, v12;
	v12 =	vld [tilespmem:s3+$0x180]  }
0x284: {  	v58 =	vld [tilespmem:s12+$0x0];
	v31 =	vadd.f32 v53, v31;
	v8 =	vadd.f32 v8, v34  }
0x285: {  	s25 =	sor.u32 s15, s22;
	v15 =	vld [tilespmem:s3+$0x200];
	v14 =	vadd.f32 v17, v14;
	v17 =	vadd.f32 v39, v36  }
0x286: {  	s21 =	sor.u32 s15, s26;
	s24 =	sor.u32 s5, s26;
	s26 =	sor.u32 s4, s22;
	v9 =	vadd.f32 v52, v9;
	v52 =	vld [tilespmem:s25+$0x0];
	v8 =	vadd.f32 v13, v8  }
0x287: {  	v53 =	vld [tilespmem:s26+$0x0];
	v7 =	vadd.f32 v28, v7;
	v17 =	vadd.f32 v41, v17  }
0x288: {  	v61 =	vld [tilespmem:s18+$0x300];
	v31 =	vadd.f32 v56, v31;
	v8 =	vadd.f32 v12, v8  }
0x289: {  	s8 =	sor.u32 s5, s22;
	s22 =	sor.u32 s15, s6;
	v62 =	vld [tilespmem:s18+$0x380];
	v7 =	vadd.f32 v27, v7;
	v17 =	vadd.f32 v54, v17  }
0x28a: {  	v63 =	vld [tilespmem:s22+$0x0];
	v9 =	vadd.f32 v55, v9;
	v8 =	vadd.f32 v15, v8  }
0x28b: {  	s9 =	sor.u32 s15, s20;
	v7 =	vadd.f32 v29, v7;
	v13 =	vld [tilespmem:s21+$0x0];
	v15 =	vadd.f32 v57, v17  }
0x28c: {  	v55 =	vld [tilespmem:s9+$0x0];
	v9 =	vadd.f32 v59, v9;
	v8 =	vadd.f32 v37, v8  }
0x28d: {  	s10 =	sor.u32 s4, s20;
	v7 =	vadd.f32 v30, v7;
	v12 =	vld [tilespmem:s24+$0x0];
	v15 =	vadd.f32 v61, v15  }
0x28e: {  	v56 =	vld [tilespmem:s10+$0x0];
	v9 =	vadd.f32 v60, v9;
	v8 =	vadd.f32 v49, v8  }
0x28f: {  	s13 =	sor.u32 s4, s19;
	v7 =	vadd.f32 v25, v7;
	v54 =	vld [tilespmem:s8+$0x0];
	v15 =	vadd.f32 v62, v15  }
0x290: {  	s11 =	sor.u32 s5, s20;
	v59 =	vld [tilespmem:s13+$0x0];
	v9 =	vadd.f32 v13, v9;
	v8 =	vadd.f32 v50, v8  }
0x291: {  	s17 =	sor.u32 s5, s19;
	v7 =	vadd.f32 v16, v7;
	v57 =	vld [tilespmem:s11+$0x0];
	v13 =	vadd.f32 v51, v15  }
0x292: {  	s18 =	sor.u32 s15, s7;
	v9 =	vadd.f32 v52, v9;
	v15 =	vld [tilespmem:s17+$0x0];
	v8 =	vadd.f32 v12, v8  }
0x293: {  	s1 =	sand.u32 $0x380, s1;
	s20 =	sor.u32 s4, s7;
	s19 =	sand.u32 $0x380, s29;
	v7 =	vadd.f32 v26, v7;
	v12 =	vld [tilespmem:s18+$0x0];
	v13 =	vadd.f32 v53, v13  }
0x294: {  	s26 =	sor.u32 s15, s2;
	s7 =	sor.u32 s5, s7;
	v60 =	vld [tilespmem:s20+$0x0];
	s21 =	sadd.s32 $0x13B80, s19;
	v9 =	vadd.f32 v55, v9;
	v8 =	vadd.f32 v54, v8  }
0x295: {  	s23 =	sor.u32 s31, s21;
	s31 =	sor.u32 s4, s2;
	s2 =	sor.u32 s5, s2;
	v61 =	vld [tilespmem:s7+$0x0];
	v62 =	vadd.f32 v22, v7;
	v13 =	vadd.f32 v56, v13  }
0x296: {  	s1 =	sadd.s32 $0x13B80, s1;
	[tilespmem:s14+$0x0] =	vst v11;
	s8 =	sor.u32 s30, s21;
	s24 =	sor.u32 s4, s6;
	v11 =	vld [tilespmem:s2+$0x0];
	v9 =	vadd.f32 v58, v9;
	v19 =	vadd.f32 v57, v8  }
0x297: {  	s0 =	sor.u32 s0, s1;
	s3 =	sor.u32 s28, s21;
	[tilespmem:s8+$0x0] =	vst v10;
	v18 =	vadd.f32 v18, v62;
	v8 =	vld [tilespmem:s24+$0x0];
	v10 =	vadd.f32 v59, v13  }
0x298: {  	s29 =	simm.s32 $0x400;
	s25 =	sor.u32 s5, s6;
	s22 =	sor.u32 s15, s16;
	[tilespmem:s3+$0x0] =	vst v31;
	v12 =	vadd.f32 v12, v9;
	v9 =	vld [tilespmem:s26+$0x0];
	v13 =	vadd.f32 v15, v19  }
0x299: {  	s20 =	sor.u32 s5, s16;
	s28 =	simm.s32 $0x4;
	s30 =	simm.s32 $0x80;
	[tilespmem:s23+$0x0] =	vst v14;
	v7 =	vld [tilespmem:s25+$0x0];
	v14 =	vadd.f32 v60, v10  }
0x29a: {  	s23 =	sor.u32 s4, s16;
	s16 =	sor.u32 s4, s1;
	s7 =	sor.u32 s5, s1;
	[tilespmem:s0+$0x0] =	vst v18;
	v10 =	vld [tilespmem:s31+$0x0];
	v12 =	vadd.f32 v63, v12;
	v13 =	vadd.f32 v61, v13  }
.LBB2_14:
0x29b: {  	s19 =	sand.u32 $0x40, s30;
	s31 =	sand.u32 $0x1C00, s29;
	v15 =	vld [tilespmem:s22+$0x0]  }
0x29c: {  	s2 =	sor.u32 $0x16380, s31;
	s0 =	sor.u32 $0x30, s19;
	v8 =	vadd.f32 v8, v14;
	v14 =	vld [tilespmem:s23+$0x0]  }
0x29d: {  	s3 =	sor.u32 s0, s2;
	v9 =	vadd.f32 v9, v12;
	v12 =	vld [tilespmem:s20+$0x0]  }
0x29e: {  	v7 =	vadd.f32 v7, v13;
	v13 =	vld [tilespmem:s3+$0x0]  }
0x29f: {  	s4 =	sor.u32 s19, s2;
	v8 =	vadd.f32 v10, v8;
	v10 =	vld [tilespmem:s3+$0x80]  }
0x2a0: {  	v7 =	vadd.f32 v11, v7;
	v11 =	vld [tilespmem:s4+$0x0]  }
0x2a1: {  	v9 =	vadd.f32 v15, v9;
	v15 =	vld [tilespmem:s3+$0x100]  }
0x2a2: {  	s14 =	sadd.s32 $0x40, s14;
	v8 =	vadd.f32 v14, v8;
	v14 =	vld [tilespmem:s4+$0x80]  }
0x2a3: {  	[tilespmem:s14+$0x0] =	vst v9;
	v7 =	vadd.f32 v12, v7;
	v9 =	vld [tilespmem:s3+$0x180]  }
0x2a4: {  	v62 =	vld [tilespmem:s4+$0x300]  }
0x2a5: {  	s6 =	sor.u32 $0x10, s19;
	[tilespmem:s7+$0x0] =	vst v7;
	v7 =	vld [tilespmem:s3+$0x200]  }
0x2a6: {  	s1 =	sor.u32 s6, s2;
	[tilespmem:s16+$0x0] =	vst v8;
	v10 =	vadd.f32 v10, v13;
	v13 =	vld [tilespmem:s3+$0x280]  }
0x2a7: {  	v8 =	vld [tilespmem:s1+$0x0]  }
0x2a8: {  	s15 =	sor.u32 $0x20, s19;
	v12 =	vld [tilespmem:s1+$0x80]  }
0x2a9: {  	s2 =	sor.u32 s15, s2;
	v16 =	vld [tilespmem:s1+$0x100];
	v10 =	vadd.f32 v15, v10  }
0x2aa: {  	v15 =	vld [tilespmem:s2+$0x80]  }
0x2ab: {  	v11 =	vadd.f32 v14, v11;
	v14 =	vld [tilespmem:s2+$0x0];
	v9 =	vadd.f32 v9, v10  }
0x2ac: {  	v10 =	vld [tilespmem:s3+$0x300]  }
0x2ad: {  	v7 =	vadd.f32 v7, v9;
	v9 =	vld [tilespmem:s3+$0x380]  }
0x2ae: {  	s5 =	sadd.s32 $0x17780, s31;
	v8 =	vadd.f32 v12, v8;
	v12 =	vld [tilespmem:s4+$0x100]  }
0x2af: {  	s16 =	sor.u32 s0, s5;
	v60 =	vld [tilespmem:s1+$0x180];
	v7 =	vadd.f32 v13, v7  }
0x2b0: {  	s17 =	sadd.s32 $0x17800, s31;
	v13 =	vld [tilespmem:s16+$0x0]  }
0x2b1: {  	s21 =	sor.u32 s0, s17;
	v7 =	vadd.f32 v10, v7;
	v10 =	vadd.f32 v15, v14;
	v15 =	vld [tilespmem:s2+$0x100]  }
0x2b2: {  	s22 =	sadd.s32 $0x17880, s31;
	s26 =	sadd.s32 $0x17900, s31;
	s12 =	sor.u32 s19, s5;
	v14 =	vld [tilespmem:s21+$0x0]  }
0x2b3: {  	s13 =	sor.u32 s6, s5;
	s25 =	sor.u32 s0, s22;
	s5 =	sor.u32 s15, s5;
	v7 =	vadd.f32 v9, v7;
	v9 =	vadd.f32 v12, v11;
	v12 =	vld [tilespmem:s4+$0x180]  }
0x2b4: {  	[dreg:$0xc] =	wrdreg s5;
	s5 =	sor.u32 s0, s26;
	v11 =	vld [tilespmem:s25+$0x0]  }
0x2b5: {  	s8 =	sadd.s32 $0x17980, s31;
	v7 =	vadd.f32 v13, v7;
	v13 =	vld [tilespmem:s5+$0x0]  }
0x2b6: {  	s9 =	sor.u32 s0, s8;
	[dreg:$0xd] =	wrdreg s12;
	v10 =	vadd.f32 v15, v10;
	v15 =	vld [tilespmem:s2+$0x180]  }
0x2b7: {  	[dreg:$0x9] =	wrdreg s13;
	s13 =	sor.u32 s19, s22;
	s12 =	sor.u32 s15, s22;
	v7 =	vadd.f32 v14, v7;
	v14 =	vld [tilespmem:s9+$0x0]  }
0x2b8: {  	s20 =	sor.u32 s6, s17;
	s23 =	sor.u32 s6, s22;
	s16 =	sadd.s32 $0x17A00, s31;
	v9 =	vadd.f32 v12, v9;
	v12 =	vld [tilespmem:s4+$0x200]  }
0x2b9: {  	s22 =	sadd.s32 $0x17A80, s31;
	[dreg:$0xb] =	wrdreg s20;
	v61 =	vld [tilespmem:s1+$0x200];
	s20 =	sor.u32 s0, s16;
	v7 =	vadd.f32 v11, v7  }
0x2ba: {  	s18 =	sor.u32 s19, s17;
	[dreg:$0xf] =	wrdreg s23;
	s23 =	sor.u32 s0, s22;
	v11 =	vld [tilespmem:s20+$0x0]  }
0x2bb: {  	s24 =	sor.u32 s15, s17;
	s11 =	sor.u32 s6, s26;
	s17 =	sor.u32 s19, s26;
	v7 =	vadd.f32 v13, v7;
	v13 =	vld [tilespmem:s23+$0x0]  }
0x2bc: {  	v8 =	vadd.f32 v16, v8;
	s21 =	sor.u32 s15, s26;
	s26 =	sor.u32 s6, s16;
	s20 =	sadd.s32 $0x17B00, s31;
	v10 =	vadd.f32 v15, v10;
	v15 =	vld [tilespmem:s2+$0x200]  }
0x2bd: {  	s5 =	sor.u32 s15, s16;
	s9 =	sor.u32 s19, s16;
	s16 =	sor.u32 s0, s20;
	v7 =	vadd.f32 v14, v7;
	v9 =	vadd.f32 v12, v9;
	v12 =	vld [tilespmem:s1+$0x280]  }
0x2be: {  	v8 =	vadd.f32 v60, v8;
	v14 =	vld [tilespmem:s16+$0x0]  }
0x2bf: {  	v7 =	vadd.f32 v11, v7;
	v11 =	vld [tilespmem:s4+$0x280]  }
0x2c0: {  	s10 =	sor.u32 s15, s8;
	[dreg:$0xe] =	wrdreg s18;
	s18 =	sor.u32 s6, s8;
	v8 =	vadd.f32 v61, v8;
	v63 =	vld [tilespmem:s9+$0x0]  }
0x2c1: {  	s3 =	sor.u32 s19, s22;
	s25 =	sor.u32 s19, s8;
	s8 =	sor.u32 s6, s22;
	v7 =	vadd.f32 v13, v7;
	v13 =	vld [tilespmem:s2+$0x280]  }
0x2c2: {  	s31 =	sor.u32 s15, s22;
	s22 =	sor.u32 s19, s20;
	s19 =	sand.u32 $0x380, s30;
	v8 =	vadd.f32 v12, v8;
	v12 =	vld [tilespmem:s1+$0x380]  }
0x2c3: {  	s19 =	sadd.s32 $0x13B80, s19;
	v7 =	vadd.f32 v14, v7;
	v14 =	vld [tilespmem:s1+$0x300]  }
0x2c4: {  	s0 =	sor.u32 s0, s19;
	v10 =	vadd.f32 v15, v10;
	v9 =	vadd.f32 v11, v9;
	v11 =	vld [tilespmem:s2+$0x300]  }
0x2c5: {  	[tilespmem:s0+$0x0] =	vst v7;
	v7 =	vld [tilespmem:s4+$0x380]  }
0x2c6: {  	v10 =	vadd.f32 v13, v10;
	v13 =	vld [tilespmem:s2+$0x380];
	s2 =	rddreg [dreg:$0xd]  }
0x2c7: {  	s23 =	sor.u32 s6, s20;
	s4 =	rddreg [dreg:$0x9];
	v15 =	vld [tilespmem:s2+$0x0]  }
0x2c8: {  	s20 =	sor.u32 s15, s20;
	s7 =	sor.u32 s15, s19;
	s15 =	rddreg [dreg:$0xe];
	v9 =	vadd.f32 v62, v9;
	v8 =	vadd.f32 v14, v8;
	v14 =	vld [tilespmem:s4+$0x0]  }
0x2c9: {  	s16 =	sor.u32 s6, s19;
	s6 =	rddreg [dreg:$0xc];
	v10 =	vadd.f32 v11, v10;
	v11 =	vld [tilespmem:s15+$0x0]  }
0x2ca: {  	s19 =	rddreg [dreg:$0xb];
	v7 =	vadd.f32 v7, v9;
	v9 =	vld [tilespmem:s6+$0x0]  }
0x2cb: {  	v8 =	vadd.f32 v12, v8;
	v12 =	vld [tilespmem:s19+$0x0]  }
0x2cc: {  	v10 =	vadd.f32 v13, v10;
	v13 =	vld [tilespmem:s24+$0x0]  }
0x2cd: {  	s24 =	rddreg [dreg:$0xf];
	v7 =	vadd.f32 v15, v7;
	v15 =	vld [tilespmem:s13+$0x0]  }
0x2ce: {  	v8 =	vadd.f32 v14, v8;
	v14 =	vld [tilespmem:s24+$0x0]  }
0x2cf: {  	v7 =	vadd.f32 v11, v7;
	v11 =	vld [tilespmem:s17+$0x0]  }
0x2d0: {  	v9 =	vadd.f32 v9, v10;
	v10 =	vld [tilespmem:s12+$0x0]  }
0x2d1: {  	v8 =	vadd.f32 v12, v8;
	v12 =	vld [tilespmem:s11+$0x0]  }
0x2d2: {  	v7 =	vadd.f32 v15, v7;
	v15 =	vld [tilespmem:s25+$0x0]  }
0x2d3: {  	v9 =	vadd.f32 v13, v9;
	v13 =	vld [tilespmem:s21+$0x0]  }
0x2d4: {  	s28 =	sadd.s32 $0x4, s28;
	v8 =	vadd.f32 v14, v8;
	v14 =	vld [tilespmem:s18+$0x0]  }
0x2d5: {  	p0 =	slt.u32 s28, $0x24;
	v7 =	vadd.f32 v11, v7;
	v11 =	vld [tilespmem:s10+$0x0]  }
.Ltmp6:
0x2d6: {  	v9 =	vadd.f32 v10, v9;
	v10 =	vadd.f32 v12, v8;
	v8 =	vld [tilespmem:s26+$0x0];
	(pc) =	sbr.rel @p0 .LBB2_14-.Ltmp6, $4  }
0x2d7: {  	v15 =	vadd.f32 v15, v7;
	v7 =	vld [tilespmem:s5+$0x0]  }
0x2d8: {  	v12 =	vadd.f32 v13, v9;
	v9 =	vld [tilespmem:s3+$0x0]  }
0x2d9: {  	v14 =	vadd.f32 v14, v10;
	v10 =	vld [tilespmem:s8+$0x0]  }
0x2da: {  	s29 =	sadd.s32 $0x200, s29;
	s30 =	sadd.s32 $0x40, s30;
	v13 =	vadd.f32 v11, v12;
	v12 =	vadd.f32 v63, v15;
	v11 =	vld [tilespmem:s31+$0x0]  }
0x2db: {  	v15 =	vld [tilespmem:s22+$0x0]  }
0x2dc: {  	v16 =	vld [tilespmem:s23+$0x0]  }
0x2dd: {  	v8 =	vadd.f32 v8, v14;
	v63 =	vld [tilespmem:s20+$0x0]  }
0x2de: {  	v7 =	vadd.f32 v7, v13;
	v9 =	vadd.f32 v9, v12  }
0x2df: {  	v8 =	vadd.f32 v10, v8  }
0x2e0: {  	v7 =	vadd.f32 v11, v7;
	v9 =	vadd.f32 v15, v9  }
0x2e1: {  	s0 =	sadd.s32 $0x40, s14;
	v8 =	vadd.f32 v16, v8  }
0x2e2: {  	v7 =	vadd.f32 v63, v7;
	[tilespmem:s0+$0x0] =	vst v9  }
0x2e3: {  	[tilespmem:s16+$0x0] =	vst v8  }
0x2e4: {  	s12 =	simm.s32 $0x0;
	[tilespmem:s7+$0x0] =	vst v7  }
0x2e5: {  	s8 =	simm.s32 $0x2;
	s7 =	simm.s32 $0x13B80;
	s0 =	rddreg [dreg:$0x18]  }
0x2e6: {  	[hbm4b:s0+s12] =	stream.linear.scatter [tilespmem:s7], [sflag:$0x2], $0x280, $0x38;
	[tilespmem:$0x1B600] =	vst v63  }
0x2e7: {  	_ =	swait.ge [sflag:s8], $0x280  }
0x2e8: {  	s1 =	rddreg [dreg:$0x1a]  }
0x2e9: {  	s31 =	rddreg [dreg:$0x19];
	s1 =	sadd.s32 $0x1, s1  }
0x2ea: {  	p0 =	sne.s32 s1, s31  }
.Ltmp7:
0x2eb: {  	_ = 	snop;
	(pc) =	sbr.rel @p0 .LBB2_1-.Ltmp7, $3  }
0x2ec: {  	_ =	sdelay $0x1  }
0x2ed: {  	[sflag:s8] =	ssyncset.done $0x0  }
0x2ee: {  	s6 =	simm.s32 $0x2800;
	[sflag:s8] =	ssyncadd.s32 $0xFFFFFD80  }
0x2ef: {  	_ =	sfence.sel $0x180000  }
0x2f0: {  	[bflag:$0x0] =	sbarrier.arrive $0xFFFF  }
0x2f1: {  	_ =	strace $0x90000047  }
0x2f2: {  	s0 =	stileid.u32;
	[bflag:$0x2] =	sbarrier.arrive $0xFFFF  }
0x2f3: {  	p0 =	sne.s32 s0, $0x0;
	s0 =	rddreg [dreg:$0x4]  }
0x2f4: {  	s0 =	sadd.s32 @!p0 $0x100000, s0  }
0x2f5: {  	[sflag:s0] =	ssyncadd.tile.s32 @!p0 $0x1;
	_ =	shalt  }
.Lfunc_end2:
_tile_overlayer_lowered:
.L_overlay_start_2:
0x2f6: {  	(tag) =	ssettag $0x2  }
0x2f7: {  	s0 =	rddreg [dreg:$0x0];
	s2 =	stileid.u32  }
0x2f8: {  	s1 =	rddreg [dreg:$0x1];
	p0 =	sne.s32 s2, $0x0  }
0x2f9: {  	s3 =	rddreg [dreg:$0x2];
	[bflag:$0x3] =	sbarrier.arrive $0xFFFF;
	s2 =	simm.s32 @!p0 $0x1C02  }
0x2fa: {  	[timem:s3], [sflag:s2] =	dma.local @!p0 [hbm:s0], s1  }
0x2fb: {  	s0 =	simm.s32 @!p0 $0x2  }
0x2fc: {  	_ =	swait.ge @!p0 [sflag:s0], s1  }
0x2fd: {  	s1 =	ssub.s32 @!p0 $0x0, s1;
	[sflag:s0] =	ssyncset.done @!p0 $0x0  }
0x2fe: {  	[sflag:s0] =	ssyncadd.s32 @!p0 s1  }
0x2ff: {  	[bflag:$0x3] =	sbarrier.arrive $0xFFFF  }
0x300: {  	_ =	shalt  }

</sc_bundles>
